<compile_context>
chip_gen: v7x
topology: tpu7x:2x2x1
jax: 0.10.2.dev20260603
libtpu: 0.0.44.dev20260713+nightly
codegen_flags: <defaults>
</compile_context>

<pallas_src>
import functools

import jax
import jax.numpy as jnp
from jax import lax
from jax.experimental import pallas as pl
from jax.experimental.pallas import tpu as pltpu
from jax.experimental.pallas import tpu_sc as plsc

N_NODES = 100000
EMBED = 30
DPAD = 32
NC, NS, L = 2, 16, 16
NW = NC * NS

_ROWS_BLK = 2000


def _tables_body(emb_ref, w1_ref, b1_ref, a_ref, b_ref):
    x = emb_ref[...]
    wa = w1_ref[0:EMBED, :]
    wb = w1_ref[EMBED:2 * EMBED, :]
    a_ref[...] = jnp.dot(x, wa, preferred_element_type=jnp.float32) + b1_ref[...]
    b_ref[...] = jnp.dot(x, wb, preferred_element_type=jnp.float32)


def _make_tables(emb, w1p, b1p):
    grid = N_NODES // _ROWS_BLK
    return pl.pallas_call(
        _tables_body,
        grid=(grid,),
        in_specs=[
            pl.BlockSpec((_ROWS_BLK, EMBED), lambda i: (i, 0)),
            pl.BlockSpec((2 * EMBED, DPAD), lambda i: (0, 0)),
            pl.BlockSpec((1, DPAD), lambda i: (0, 0)),
        ],
        out_specs=[
            pl.BlockSpec((_ROWS_BLK, DPAD), lambda i: (i, 0)),
            pl.BlockSpec((_ROWS_BLK, DPAD), lambda i: (i, 0)),
        ],
        out_shape=[
            jax.ShapeDtypeStruct((N_NODES, DPAD), jnp.float32),
            jax.ShapeDtypeStruct((N_NODES, DPAD), jnp.float32),
        ],
    )(emb, w1p, b1p)


_CHUNK = 400


def _edge_dot_sc(n_edges, compiler_params=pltpu.CompilerParams(use_tc_tiling_on_sc=False)):
    per_w = n_edges // NW
    n_chunks = per_w // _CHUNK
    mesh = plsc.VectorSubcoreMesh(
        core_axis_name="c", subcore_axis_name="s", num_cores=NC, num_subcores=NS)

    @functools.partial(
        pl.kernel,
        out_type=jax.ShapeDtypeStruct((n_edges,), jnp.float32),
        mesh=mesh,
        compiler_params=compiler_params,
        scratch_types=[
            pltpu.VMEM((_CHUNK,), jnp.int32),
            pltpu.VMEM((_CHUNK,), jnp.int32),
            pltpu.VMEM((_CHUNK, DPAD), jnp.float32),
            pltpu.VMEM((_CHUNK, DPAD), jnp.float32),
            pltpu.VMEM((DPAD,), jnp.float32),
            pltpu.VMEM((_CHUNK,), jnp.float32),
            pltpu.SemaphoreType.DMA,
            pltpu.SemaphoreType.DMA,
        ],
    )
    def k(a_hbm, b_hbm, src_hbm, dst_hbm, w_hbm, out_hbm,
          idx_s, idx_d, rows_a, rows_b, wv, dbuf, sem_a, sem_b):
        wid = lax.axis_index("s") * NC + lax.axis_index("c")
        base = wid * per_w
        pltpu.sync_copy(w_hbm, wv)
        lane = lax.iota(jnp.int32, L)
        w_lo = wv[pl.ds(0, L)]
        w_hi = wv[pl.ds(L, L)]

        dnums = lax.GatherDimensionNumbers(
            offset_dims=(), collapsed_slice_dims=(0,), start_index_map=(0,))

        def hsum_all_lanes(t):
            for sh in (1, 2, 4, 8):
                idx = lane ^ sh
                t = t + lax.gather(t, idx[:, None], dnums, (1,),
                                   mode=lax.GatherScatterMode.PROMISE_IN_BOUNDS)
            return t

        def chunk_body(kk, carry):
            off = base + kk * _CHUNK
            pltpu.sync_copy(src_hbm.at[pl.ds(off, _CHUNK)], idx_s)
            pltpu.sync_copy(dst_hbm.at[pl.ds(off, _CHUNK)], idx_d)
            cp_a = pltpu.async_copy(a_hbm.at[idx_s], rows_a, sem_a)
            cp_b = pltpu.async_copy(b_hbm.at[idx_d], rows_b, sem_b)
            cp_a.wait()
            cp_b.wait()

            def edge_body(g, c2):
                dv = jnp.zeros((L,), jnp.float32)
                for u in range(L):
                    e = g * L + u
                    h0 = jnp.maximum(rows_a[e, pl.ds(0, L)] + rows_b[e, pl.ds(0, L)], 0.0)
                    h1 = jnp.maximum(rows_a[e, pl.ds(L, L)] + rows_b[e, pl.ds(L, L)], 0.0)
                    t = hsum_all_lanes(h0 * w_lo + h1 * w_hi)
                    dv = jnp.where(lane == u, t, dv)
                dbuf[pl.ds(g * L, L)] = dv
                return c2

            lax.fori_loop(0, _CHUNK // L, edge_body, 0, unroll=False)
            pltpu.sync_copy(dbuf, out_hbm.at[pl.ds(off, _CHUNK)])
            return carry

        lax.fori_loop(0, n_chunks, chunk_body, 0, unroll=False)

    return k


_RED_ROWS = 1250
_RED_COLS = 1280
_RED_BLK = 128


def _loss_body(d_ref, lab_ref, c_ref, out_ref):
    i = pl.program_id(0)
    c = c_ref[0, 0]
    x = (2.0 * lab_ref[...].astype(jnp.float32) - 1.0) * (d_ref[...] + c)
    nll = jnp.maximum(x, 0.0) + jnp.log1p(jnp.exp(-jnp.abs(x)))
    s = jnp.sum(nll)

    @pl.when(i == 0)
    def _():
        out_ref[0, 0] = 0.0

    out_ref[0, 0] += s


def _reduce_loss(d2, lab2, carr, n_edges):
    grid = _RED_COLS // _RED_BLK
    out = pl.pallas_call(
        _loss_body,
        grid=(grid,),
        in_specs=[
            pl.BlockSpec((_RED_ROWS, _RED_BLK), lambda i: (0, i)),
            pl.BlockSpec((_RED_ROWS, _RED_BLK), lambda i: (0, i)),
            pl.BlockSpec(memory_space=pltpu.SMEM),
        ],
        out_specs=pl.BlockSpec(memory_space=pltpu.SMEM),
        out_shape=jax.ShapeDtypeStruct((1, 1), jnp.float32),
    )(d2, lab2, carr)
    return out[0, 0] / n_edges


def kernel(edges, labels, word_embeddings, W1, b1, W2, b2):
    edges = edges.reshape(2, -1)
    n_edges = edges.shape[1]
    src = edges[0].astype(jnp.int32)
    dst = edges[1].astype(jnp.int32)

    w1p = jnp.pad(W1.astype(jnp.float32), ((0, 0), (0, DPAD - EMBED)))
    b1p = jnp.pad(b1.astype(jnp.float32), (0, DPAD - EMBED)).reshape(1, DPAD)
    a_tab, b_tab = _make_tables(word_embeddings.astype(jnp.float32), w1p, b1p)

    w = jnp.pad(W2[:, 0] - W2[:, 1], (0, DPAD - EMBED)).astype(jnp.float32)
    d = _edge_dot_sc(n_edges)(a_tab, b_tab, src, dst, w)

    carr = (b2[0] - b2[1]).astype(jnp.float32).reshape(1, 1)
    d2 = d.reshape(_RED_ROWS, _RED_COLS)
    lab2 = labels.astype(jnp.int32).reshape(_RED_ROWS, _RED_COLS)
    return _reduce_loss(d2, lab2, carr, n_edges)

# --- scband reference (transcript-rebuilt; emitter-appended) ---
"""Pipeline reference for scband-deep-walk-30648886624537 (READ-ONLY COPY).

The authoritative reference and input builder live on the scoring server;
editing this copy changes nothing except your own understanding.
"""

import jax, jax.numpy as jnp
import numpy as np

N_NODES = 100000
N_EDGES = 1600000
EMBED = 30

def setup_inputs(seed: int = 0) -> dict:
    key = jax.random.key(seed)
    k1, k2, k3, k4, k5, k6 = jax.random.split(key, 6)
    edges = jax.random.randint(k1, (2, N_EDGES), 0, N_NODES)
    labels = jax.random.randint(k2, (N_EDGES,), 0, 2)
    # word_embeddings normally come from Word2Vec over random walks; materialize as a learned table
    word_embeddings = jax.random.normal(k3, (N_NODES, EMBED), dtype=jnp.float32)
    # LineNetwork(feature_dim=2*EMBED, hidden_layer_dim=EMBED, output_dim=2): Linear->ReLU->Linear
    W1 = jax.random.normal(k4, (2 * EMBED, EMBED), dtype=jnp.float32) * (1.0 / np.sqrt(2 * EMBED))
    b1 = jnp.zeros((EMBED,), dtype=jnp.float32)
    W2 = jax.random.normal(k5, (EMBED, 2), dtype=jnp.float32) * (1.0 / np.sqrt(EMBED))
    b2 = jnp.zeros((2,), dtype=jnp.float32)
    return {"edges": edges, "labels": labels, "word_embeddings": word_embeddings,
            "W1": W1, "b1": b1, "W2": W2, "b2": b2}

def reference(edges, labels, word_embeddings, W1, b1, W2, b2):
    edges = edges.reshape(2, -1)
    src_nodes = edges[0]
    dst_nodes = edges[1]
    src_embeddings = jnp.take(word_embeddings, src_nodes, axis=0)
    dst_embeddings = jnp.take(word_embeddings, dst_nodes, axis=0)
    edge_embeddings = jnp.concatenate([src_embeddings, dst_embeddings], axis=1)
    h = jax.nn.relu(edge_embeddings @ W1 + b1)
    logits = h @ W2 + b2
    logp = jax.nn.log_softmax(logits, axis=-1)
    nll = -jnp.take_along_axis(logp, labels[:, None], axis=1)[:, 0]
    loss = jnp.mean(nll)
    return loss

if __name__ == "__main__":
    import jax
    _d = setup_inputs()
    print(jax.jit(kernel)(*tuple(_d.values())))

</pallas_src>

<mosaic_0001>
#map = affine_map<(d0, d1) -> (0, 0)>
#map1 = affine_map<(d0, d1) -> (0)>
module attributes {stable_mosaic.version = 14 : i64} {
  func.func @k(%arg0: i32, %arg1: i32, %arg2: memref<100000x32xf32, #tpu.memory_space<hbm>>, %arg3: memref<100000x32xf32, #tpu.memory_space<hbm>>, %arg4: memref<1600000xi32, #tpu.memory_space<hbm>>, %arg5: memref<1600000xi32, #tpu.memory_space<hbm>>, %arg6: memref<32xf32, #tpu.memory_space<hbm>>, %arg7: memref<1600000xf32, #tpu.memory_space<hbm>>, %arg8: memref<400xi32, #tpu.memory_space<vmem>>, %arg9: memref<400xi32, #tpu.memory_space<vmem>>, %arg10: memref<400x32xf32, #tpu.memory_space<vmem>>, %arg11: memref<400x32xf32, #tpu.memory_space<vmem>>, %arg12: memref<32xf32, #tpu.memory_space<vmem>>, %arg13: memref<400xf32, #tpu.memory_space<vmem>>, %arg14: memref<!tpu.dma_semaphore, #tpu.memory_space<semaphore_mem>>, %arg15: memref<!tpu.dma_semaphore, #tpu.memory_space<semaphore_mem>>) attributes {dimension_semantics = [#tpu.dimension_semantics<core_parallel>, #tpu.dimension_semantics<subcore_parallel>], iteration_bounds = array<i64: 2, 16>, scalar_prefetch = 0 : i64, scratch_operands = 8 : i64, tpu.core_type = #tpu.core_type<sc_vector_subcore>, window_params = [{transform_indices = #map}, {transform_indices = #map}, {transform_indices = #map1}, {transform_indices = #map1}, {transform_indices = #map1}, {transform_indices = #map1}]} {
    %mul3A = arith.constant 2 : i32
    %mul3A_0 = arith.muli %arg1, %mul3A : i32
    %add3A = arith.addi %mul3A_0, %arg0 : i32
    %mul3A_1 = arith.constant 50000 : i32
    %mul3A_2 = arith.muli %add3A, %mul3A_1 : i32
    "tpu.region"() ({
      %run_scoped3A = tpu.sem_alloc : memref<!tpu.dma_semaphore, #tpu.memory_space<semaphore_mem>>
      tpu.enqueue_dma source(%arg6 : memref<32xf32, #tpu.memory_space<hbm>>) target(%arg12 : memref<32xf32, #tpu.memory_space<vmem>>) target_semaphore(%run_scoped3A : memref<!tpu.dma_semaphore, #tpu.memory_space<semaphore_mem>>)
      tpu.wait_dma2 semaphore(%run_scoped3A : memref<!tpu.dma_semaphore, #tpu.memory_space<semaphore_mem>>) src(%arg6 : memref<32xf32, #tpu.memory_space<hbm>>) dst(%arg12 : memref<32xf32, #tpu.memory_space<vmem>>)
      tpu.yield
    }) : () -> ()
    %iota3A = tpu.iota {dimensions = array<i32: 0>} : vector<16xi32>
    %get3A = arith.constant 0 : index
    %get3A_3 = tpu.vector_load %arg12[%get3A] {strides = array<i32>} : memref<32xf32, #tpu.memory_space<vmem>>, vector<16xf32>,
    %get3A_4 = vector.shape_cast %get3A_3 : vector<16xf32> to vector<16xf32>
    %get3A_5 = arith.constant 16 : index
    %get3A_6 = tpu.vector_load %arg12[%get3A_5] {strides = array<i32>} : memref<32xf32, #tpu.memory_space<vmem>>, vector<16xf32>,
    %get3A_7 = vector.shape_cast %get3A_6 : vector<16xf32> to vector<16xf32>
    %scan3A = arith.constant 0 : i32
    %scan3A_8 = arith.constant 0 : i32
    %scan3A_9 = arith.constant 125 : i32
    %scan3A_10 = arith.addi %scan3A_8, %scan3A_9 : i32
    %scan3A_11 = arith.constant 1 : i32
    scf.for %scan3A_13 = %scan3A_8 to %scan3A_10 step %scan3A_11  : i32 {
      %mul3A_14 = arith.constant 400 : i32
      %mul3A_15 = arith.muli %scan3A_13, %mul3A_14 : i32
      %add3A_16 = arith.addi %mul3A_2, %mul3A_15 : i32
      "tpu.region"() ({
        %run_scoped3A = tpu.sem_alloc : memref<!tpu.dma_semaphore, #tpu.memory_space<semaphore_mem>>
        %dma_start3A_33 = tpu.memref_slice %arg4[%add3A_16] : memref<1600000xi32, #tpu.memory_space<hbm>> -> memref<400xi32, #tpu.memory_space<hbm>>
        %dma_start3A_34 = tpu.memref_slice %arg4[%add3A_16] : memref<1600000xi32, #tpu.memory_space<hbm>> -> memref<400xi32, #tpu.memory_space<hbm>>
        tpu.enqueue_dma source(%dma_start3A_34 : memref<400xi32, #tpu.memory_space<hbm>>) target(%arg8 : memref<400xi32, #tpu.memory_space<vmem>>) target_semaphore(%run_scoped3A : memref<!tpu.dma_semaphore, #tpu.memory_space<semaphore_mem>>)
        %dma_wait3A_35 = tpu.memref_slice %arg4[%add3A_16] : memref<1600000xi32, #tpu.memory_space<hbm>> -> memref<400xi32, #tpu.memory_space<hbm>>
        %dma_wait3A_36 = tpu.memref_slice %arg4[%add3A_16] : memref<1600000xi32, #tpu.memory_space<hbm>> -> memref<400xi32, #tpu.memory_space<hbm>>
        tpu.wait_dma2 semaphore(%run_scoped3A : memref<!tpu.dma_semaphore, #tpu.memory_space<semaphore_mem>>) src(%dma_wait3A_36 : memref<400xi32, #tpu.memory_space<hbm>>) dst(%arg8 : memref<400xi32, #tpu.memory_space<vmem>>)
        tpu.yield
      }) : () -> ()
      "tpu.region"() ({
        %run_scoped3A = tpu.sem_alloc : memref<!tpu.dma_semaphore, #tpu.memory_space<semaphore_mem>>
        %dma_start3A_33 = tpu.memref_slice %arg5[%add3A_16] : memref<1600000xi32, #tpu.memory_space<hbm>> -> memref<400xi32, #tpu.memory_space<hbm>>
        %dma_start3A_34 = tpu.memref_slice %arg5[%add3A_16] : memref<1600000xi32, #tpu.memory_space<hbm>> -> memref<400xi32, #tpu.memory_space<hbm>>
        tpu.enqueue_dma source(%dma_start3A_34 : memref<400xi32, #tpu.memory_space<hbm>>) target(%arg9 : memref<400xi32, #tpu.memory_space<vmem>>) target_semaphore(%run_scoped3A : memref<!tpu.dma_semaphore, #tpu.memory_space<semaphore_mem>>)
        %dma_wait3A_35 = tpu.memref_slice %arg5[%add3A_16] : memref<1600000xi32, #tpu.memory_space<hbm>> -> memref<400xi32, #tpu.memory_space<hbm>>
        %dma_wait3A_36 = tpu.memref_slice %arg5[%add3A_16] : memref<1600000xi32, #tpu.memory_space<hbm>> -> memref<400xi32, #tpu.memory_space<hbm>>
        tpu.wait_dma2 semaphore(%run_scoped3A : memref<!tpu.dma_semaphore, #tpu.memory_space<semaphore_mem>>) src(%dma_wait3A_36 : memref<400xi32, #tpu.memory_space<hbm>>) dst(%arg9 : memref<400xi32, #tpu.memory_space<vmem>>)
        tpu.yield
      }) : () -> ()
      %dma_start3A = arith.constant 0 : i32
      %dma_start3A_17 = arith.constant 0 : i32
      %dma_start3A_18 = tpu.memref_slice %arg2[%dma_start3A, %dma_start3A_17] : memref<100000x32xf32, #tpu.memory_space<hbm>> -> memref<100000x32xf32, #tpu.memory_space<hbm>>
      tpu.enqueue_indirect_dma source(%dma_start3A_18 : memref<100000x32xf32, #tpu.memory_space<hbm>>) target(%arg10 : memref<400x32xf32, #tpu.memory_space<vmem>>) offsets(%arg8 : memref<400xi32, #tpu.memory_space<vmem>>) semaphore(%arg14 : memref<!tpu.dma_semaphore, #tpu.memory_space<semaphore_mem>>)
      %dma_start3A_19 = arith.constant 0 : i32
      %dma_start3A_20 = arith.constant 0 : i32
      %dma_start3A_21 = tpu.memref_slice %arg3[%dma_start3A_19, %dma_start3A_20] : memref<100000x32xf32, #tpu.memory_space<hbm>> -> memref<100000x32xf32, #tpu.memory_space<hbm>>
      tpu.enqueue_indirect_dma source(%dma_start3A_21 : memref<100000x32xf32, #tpu.memory_space<hbm>>) target(%arg11 : memref<400x32xf32, #tpu.memory_space<vmem>>) offsets(%arg9 : memref<400xi32, #tpu.memory_space<vmem>>) semaphore(%arg15 : memref<!tpu.dma_semaphore, #tpu.memory_space<semaphore_mem>>)
      %dma_wait3A = arith.constant 0 : i32
      %dma_wait3A_22 = arith.constant 0 : i32
      %dma_wait3A_23 = tpu.memref_slice %arg2[%dma_wait3A, %dma_wait3A_22] : memref<100000x32xf32, #tpu.memory_space<hbm>> -> memref<100000x32xf32, #tpu.memory_space<hbm>>
      tpu.wait_indirect_dma semaphore(%arg14 : memref<!tpu.dma_semaphore, #tpu.memory_space<semaphore_mem>>) src(%dma_wait3A_23 : memref<100000x32xf32, #tpu.memory_space<hbm>>) dst(%arg10 : memref<400x32xf32, #tpu.memory_space<vmem>>)
      %dma_wait3A_24 = arith.constant 0 : i32
      %dma_wait3A_25 = arith.constant 0 : i32
      %dma_wait3A_26 = tpu.memref_slice %arg3[%dma_wait3A_24, %dma_wait3A_25] : memref<100000x32xf32, #tpu.memory_space<hbm>> -> memref<100000x32xf32, #tpu.memory_space<hbm>>
      tpu.wait_indirect_dma semaphore(%arg15 : memref<!tpu.dma_semaphore, #tpu.memory_space<semaphore_mem>>) src(%dma_wait3A_26 : memref<100000x32xf32, #tpu.memory_space<hbm>>) dst(%arg11 : memref<400x32xf32, #tpu.memory_space<vmem>>)
      %scan3A_27 = arith.constant 0 : i32
      %scan3A_28 = arith.constant 0 : i32
      %scan3A_29 = arith.constant 25 : i32
      %scan3A_30 = arith.addi %scan3A_28, %scan3A_29 : i32
      %scan3A_31 = arith.constant 1 : i32
      scf.for %scan3A_33 = %scan3A_28 to %scan3A_30 step %scan3A_31  : i32 {
        %broadcast_in_dim3A = arith.constant 0.000000e+00 : f32
        %broadcast_in_dim3A_34 = vector.broadcast %broadcast_in_dim3A : f32 to vector<16xf32>
        %mul3A_35 = arith.constant 16 : i32
        %mul3A_36 = arith.muli %scan3A_33, %mul3A_35 : i32
        %add3A_37 = arith.constant 0 : i32
        %add3A_38 = arith.addi %mul3A_36, %add3A_37 : i32
        %get3A_39 = arith.index_cast %add3A_38 : i32 to index
        %get3A_40 = arith.constant 0 : index
        %get3A_41 = tpu.vector_load %arg10[%get3A_39, %get3A_40] {strides = array<i32>} : memref<400x32xf32, #tpu.memory_space<vmem>>, vector<1x16xf32>,
        %get3A_42 = vector.shape_cast %get3A_41 : vector<1x16xf32> to vector<16xf32>
        %get3A_43 = arith.index_cast %add3A_38 : i32 to index
        %get3A_44 = arith.constant 0 : index
        %get3A_45 = tpu.vector_load %arg11[%get3A_43, %get3A_44] {strides = array<i32>} : memref<400x32xf32, #tpu.memory_space<vmem>>, vector<1x16xf32>,
        %get3A_46 = vector.shape_cast %get3A_45 : vector<1x16xf32> to vector<16xf32>
        %add3A_47 = arith.addf %get3A_42, %get3A_46 : vector<16xf32>
        %max3A = arith.constant 0.000000e+00 : f32
        %max3A_48 = vector.broadcast %max3A : f32 to vector<16xf32>
        %max3A_49 = arith.maximumf %add3A_47, %max3A_48 : vector<16xf32>
        %get3A_50 = arith.index_cast %add3A_38 : i32 to index
        %get3A_51 = arith.constant 16 : index
        %get3A_52 = tpu.vector_load %arg10[%get3A_50, %get3A_51] {strides = array<i32>} : memref<400x32xf32, #tpu.memory_space<vmem>>, vector<1x16xf32>,
        %get3A_53 = vector.shape_cast %get3A_52 : vector<1x16xf32> to vector<16xf32>
        %get3A_54 = arith.index_cast %add3A_38 : i32 to index
        %get3A_55 = arith.constant 16 : index
        %get3A_56 = tpu.vector_load %arg11[%get3A_54, %get3A_55] {strides = array<i32>} : memref<400x32xf32, #tpu.memory_space<vmem>>, vector<1x16xf32>,
        %get3A_57 = vector.shape_cast %get3A_56 : vector<1x16xf32> to vector<16xf32>
        %add3A_58 = arith.addf %get3A_53, %get3A_57 : vector<16xf32>
        %max3A_59 = arith.constant 0.000000e+00 : f32
        %max3A_60 = vector.broadcast %max3A_59 : f32 to vector<16xf32>
        %max3A_61 = arith.maximumf %add3A_58, %max3A_60 : vector<16xf32>
        %mul3A_62 = arith.mulf %max3A_49, %get3A_4 : vector<16xf32>
        %mul3A_63 = arith.mulf %max3A_61, %get3A_7 : vector<16xf32>
        %add3A_64 = arith.addf %mul3A_62, %mul3A_63 : vector<16xf32>
        %xor3A = arith.constant 1 : i32
        %xor3A_65 = vector.broadcast %xor3A : i32 to vector<16xi32>
        %xor3A_66 = arith.xori %iota3A, %xor3A_65 : vector<16xi32>
        %broadcast_in_dim3A_67 = vector.shape_cast %xor3A_66 : vector<16xi32> to vector<16x1xi32>
        %gather3A = vector.shape_cast %broadcast_in_dim3A_67 : vector<16x1xi32> to vector<16xi32>
        %gather3A_68 = tpu.dynamic_gather %add3A_64[%gather3A] in [0] : vector<16xf32>, vector<16xi32> -> vector<16xf32>
        %add3A_69 = arith.addf %add3A_64, %gather3A_68 : vector<16xf32>
        %xor3A_70 = arith.constant 2 : i32
        %xor3A_71 = vector.broadcast %xor3A_70 : i32 to vector<16xi32>
        %xor3A_72 = arith.xori %iota3A, %xor3A_71 : vector<16xi32>
        %broadcast_in_dim3A_73 = vector.shape_cast %xor3A_72 : vector<16xi32> to vector<16x1xi32>
        %gather3A_74 = vector.shape_cast %broadcast_in_dim3A_73 : vector<16x1xi32> to vector<16xi32>
        %gather3A_75 = tpu.dynamic_gather %add3A_69[%gather3A_74] in [0] : vector<16xf32>, vector<16xi32> -> vector<16xf32>
        %add3A_76 = arith.addf %add3A_69, %gather3A_75 : vector<16xf32>
        %xor3A_77 = arith.constant 4 : i32
        %xor3A_78 = vector.broadcast %xor3A_77 : i32 to vector<16xi32>
        %xor3A_79 = arith.xori %iota3A, %xor3A_78 : vector<16xi32>
        %broadcast_in_dim3A_80 = vector.shape_cast %xor3A_79 : vector<16xi32> to vector<16x1xi32>
        %gather3A_81 = vector.shape_cast %broadcast_in_dim3A_80 : vector<16x1xi32> to vector<16xi32>
        %gather3A_82 = tpu.dynamic_gather %add3A_76[%gather3A_81] in [0] : vector<16xf32>, vector<16xi32> -> vector<16xf32>
        %add3A_83 = arith.addf %add3A_76, %gather3A_82 : vector<16xf32>
        %xor3A_84 = arith.constant 8 : i32
        %xor3A_85 = vector.broadcast %xor3A_84 : i32 to vector<16xi32>
        %xor3A_86 = arith.xori %iota3A, %xor3A_85 : vector<16xi32>
        %broadcast_in_dim3A_87 = vector.shape_cast %xor3A_86 : vector<16xi32> to vector<16x1xi32>
        %gather3A_88 = vector.shape_cast %broadcast_in_dim3A_87 : vector<16x1xi32> to vector<16xi32>
        %gather3A_89 = tpu.dynamic_gather %add3A_83[%gather3A_88] in [0] : vector<16xf32>, vector<16xi32> -> vector<16xf32>
        %add3A_90 = arith.addf %add3A_83, %gather3A_89 : vector<16xf32>
        %eq3A = arith.constant 0 : i32
        %eq3A_91 = vector.broadcast %eq3A : i32 to vector<16xi32>
        %eq3A_92 = arith.cmpi eq, %iota3A, %eq3A_91 : vector<16xi32>
        %select_n3A = arith.select %eq3A_92, %add3A_90, %broadcast_in_dim3A_34 : vector<16xi1>, vector<16xf32>
        %mul3A_93 = arith.constant 16 : i32
        %mul3A_94 = arith.muli %scan3A_33, %mul3A_93 : i32
        %add3A_95 = arith.constant 1 : i32
        %add3A_96 = arith.addi %mul3A_94, %add3A_95 : i32
        %get3A_97 = arith.index_cast %add3A_96 : i32 to index
        %get3A_98 = arith.constant 0 : index
        %get3A_99 = tpu.vector_load %arg10[%get3A_97, %get3A_98] {strides = array<i32>} : memref<400x32xf32, #tpu.memory_space<vmem>>, vector<1x16xf32>,
        %get3A_100 = vector.shape_cast %get3A_99 : vector<1x16xf32> to vector<16xf32>
        %get3A_101 = arith.index_cast %add3A_96 : i32 to index
        %get3A_102 = arith.constant 0 : index
        %get3A_103 = tpu.vector_load %arg11[%get3A_101, %get3A_102] {strides = array<i32>} : memref<400x32xf32, #tpu.memory_space<vmem>>, vector<1x16xf32>,
        %get3A_104 = vector.shape_cast %get3A_103 : vector<1x16xf32> to vector<16xf32>
        %add3A_105 = arith.addf %get3A_100, %get3A_104 : vector<16xf32>
        %max3A_106 = arith.constant 0.000000e+00 : f32
        %max3A_107 = vector.broadcast %max3A_106 : f32 to vector<16xf32>
        %max3A_108 = arith.maximumf %add3A_105, %max3A_107 : vector<16xf32>
        %get3A_109 = arith.index_cast %add3A_96 : i32 to index
        %get3A_110 = arith.constant 16 : index
        %get3A_111 = tpu.vector_load %arg10[%get3A_109, %get3A_110] {strides = array<i32>} : memref<400x32xf32, #tpu.memory_space<vmem>>, vector<1x16xf32>,
        %get3A_112 = vector.shape_cast %get3A_111 : vector<1x16xf32> to vector<16xf32>
        %get3A_113 = arith.index_cast %add3A_96 : i32 to index
        %get3A_114 = arith.constant 16 : index
        %get3A_115 = tpu.vector_load %arg11[%get3A_113, %get3A_114] {strides = array<i32>} : memref<400x32xf32, #tpu.memory_space<vmem>>, vector<1x16xf32>,
        %get3A_116 = vector.shape_cast %get3A_115 : vector<1x16xf32> to vector<16xf32>
        %add3A_117 = arith.addf %get3A_112, %get3A_116 : vector<16xf32>
        %max3A_118 = arith.constant 0.000000e+00 : f32
        %max3A_119 = vector.broadcast %max3A_118 : f32 to vector<16xf32>
        %max3A_120 = arith.maximumf %add3A_117, %max3A_119 : vector<16xf32>
        %mul3A_121 = arith.mulf %max3A_108, %get3A_4 : vector<16xf32>
        %mul3A_122 = arith.mulf %max3A_120, %get3A_7 : vector<16xf32>
        %add3A_123 = arith.addf %mul3A_121, %mul3A_122 : vector<16xf32>
        %xor3A_124 = arith.constant 1 : i32
        %xor3A_125 = vector.broadcast %xor3A_124 : i32 to vector<16xi32>
        %xor3A_126 = arith.xori %iota3A, %xor3A_125 : vector<16xi32>
        %broadcast_in_dim3A_127 = vector.shape_cast %xor3A_126 : vector<16xi32> to vector<16x1xi32>
        %gather3A_128 = vector.shape_cast %broadcast_in_dim3A_127 : vector<16x1xi32> to vector<16xi32>
        %gather3A_129 = tpu.dynamic_gather %add3A_123[%gather3A_128] in [0] : vector<16xf32>, vector<16xi32> -> vector<16xf32>
        %add3A_130 = arith.addf %add3A_123, %gather3A_129 : vector<16xf32>
        %xor3A_131 = arith.constant 2 : i32
        %xor3A_132 = vector.broadcast %xor3A_131 : i32 to vector<16xi32>
        %xor3A_133 = arith.xori %iota3A, %xor3A_132 : vector<16xi32>
        %broadcast_in_dim3A_134 = vector.shape_cast %xor3A_133 : vector<16xi32> to vector<16x1xi32>
        %gather3A_135 = vector.shape_cast %broadcast_in_dim3A_134 : vector<16x1xi32> to vector<16xi32>
        %gather3A_136 = tpu.dynamic_gather %add3A_130[%gather3A_135] in [0] : vector<16xf32>, vector<16xi32> -> vector<16xf32>
        %add3A_137 = arith.addf %add3A_130, %gather3A_136 : vector<16xf32>
        %xor3A_138 = arith.constant 4 : i32
        %xor3A_139 = vector.broadcast %xor3A_138 : i32 to vector<16xi32>
        %xor3A_140 = arith.xori %iota3A, %xor3A_139 : vector<16xi32>
        %broadcast_in_dim3A_141 = vector.shape_cast %xor3A_140 : vector<16xi32> to vector<16x1xi32>
        %gather3A_142 = vector.shape_cast %broadcast_in_dim3A_141 : vector<16x1xi32> to vector<16xi32>
        %gather3A_143 = tpu.dynamic_gather %add3A_137[%gather3A_142] in [0] : vector<16xf32>, vector<16xi32> -> vector<16xf32>
        %add3A_144 = arith.addf %add3A_137, %gather3A_143 : vector<16xf32>
        %xor3A_145 = arith.constant 8 : i32
        %xor3A_146 = vector.broadcast %xor3A_145 : i32 to vector<16xi32>
        %xor3A_147 = arith.xori %iota3A, %xor3A_146 : vector<16xi32>
        %broadcast_in_dim3A_148 = vector.shape_cast %xor3A_147 : vector<16xi32> to vector<16x1xi32>
        %gather3A_149 = vector.shape_cast %broadcast_in_dim3A_148 : vector<16x1xi32> to vector<16xi32>
        %gather3A_150 = tpu.dynamic_gather %add3A_144[%gather3A_149] in [0] : vector<16xf32>, vector<16xi32> -> vector<16xf32>
        %add3A_151 = arith.addf %add3A_144, %gather3A_150 : vector<16xf32>
        %eq3A_152 = arith.constant 1 : i32
        %eq3A_153 = vector.broadcast %eq3A_152 : i32 to vector<16xi32>
        %eq3A_154 = arith.cmpi eq, %iota3A, %eq3A_153 : vector<16xi32>
        %select_n3A_155 = arith.select %eq3A_154, %add3A_151, %select_n3A : vector<16xi1>, vector<16xf32>
        %mul3A_156 = arith.constant 16 : i32
        %mul3A_157 = arith.muli %scan3A_33, %mul3A_156 : i32
        %add3A_158 = arith.constant 2 : i32
        %add3A_159 = arith.addi %mul3A_157, %add3A_158 : i32
        %get3A_160 = arith.index_cast %add3A_159 : i32 to index
        %get3A_161 = arith.constant 0 : index
        %get3A_162 = tpu.vector_load %arg10[%get3A_160, %get3A_161] {strides = array<i32>} : memref<400x32xf32, #tpu.memory_space<vmem>>, vector<1x16xf32>,
        %get3A_163 = vector.shape_cast %get3A_162 : vector<1x16xf32> to vector<16xf32>
        %get3A_164 = arith.index_cast %add3A_159 : i32 to index
        %get3A_165 = arith.constant 0 : index
        %get3A_166 = tpu.vector_load %arg11[%get3A_164, %get3A_165] {strides = array<i32>} : memref<400x32xf32, #tpu.memory_space<vmem>>, vector<1x16xf32>,
        %get3A_167 = vector.shape_cast %get3A_166 : vector<1x16xf32> to vector<16xf32>
        %add3A_168 = arith.addf %get3A_163, %get3A_167 : vector<16xf32>
        %max3A_169 = arith.constant 0.000000e+00 : f32
        %max3A_170 = vector.broadcast %max3A_169 : f32 to vector<16xf32>
        %max3A_171 = arith.maximumf %add3A_168, %max3A_170 : vector<16xf32>
        %get3A_172 = arith.index_cast %add3A_159 : i32 to index
        %get3A_173 = arith.constant 16 : index
        %get3A_174 = tpu.vector_load %arg10[%get3A_172, %get3A_173] {strides = array<i32>} : memref<400x32xf32, #tpu.memory_space<vmem>>, vector<1x16xf32>,
        %get3A_175 = vector.shape_cast %get3A_174 : vector<1x16xf32> to vector<16xf32>
        %get3A_176 = arith.index_cast %add3A_159 : i32 to index
        %get3A_177 = arith.constant 16 : index
        %get3A_178 = tpu.vector_load %arg11[%get3A_176, %get3A_177] {strides = array<i32>} : memref<400x32xf32, #tpu.memory_space<vmem>>, vector<1x16xf32>,
        %get3A_179 = vector.shape_cast %get3A_178 : vector<1x16xf32> to vector<16xf32>
        %add3A_180 = arith.addf %get3A_175, %get3A_179 : vector<16xf32>
        %max3A_181 = arith.constant 0.000000e+00 : f32
        %max3A_182 = vector.broadcast %max3A_181 : f32 to vector<16xf32>
        %max3A_183 = arith.maximumf %add3A_180, %max3A_182 : vector<16xf32>
        %mul3A_184 = arith.mulf %max3A_171, %get3A_4 : vector<16xf32>
        %mul3A_185 = arith.mulf %max3A_183, %get3A_7 : vector<16xf32>
        %add3A_186 = arith.addf %mul3A_184, %mul3A_185 : vector<16xf32>
        %xor3A_187 = arith.constant 1 : i32
        %xor3A_188 = vector.broadcast %xor3A_187 : i32 to vector<16xi32>
        %xor3A_189 = arith.xori %iota3A, %xor3A_188 : vector<16xi32>
        %broadcast_in_dim3A_190 = vector.shape_cast %xor3A_189 : vector<16xi32> to vector<16x1xi32>
        %gather3A_191 = vector.shape_cast %broadcast_in_dim3A_190 : vector<16x1xi32> to vector<16xi32>
        %gather3A_192 = tpu.dynamic_gather %add3A_186[%gather3A_191] in [0] : vector<16xf32>, vector<16xi32> -> vector<16xf32>
        %add3A_193 = arith.addf %add3A_186, %gather3A_192 : vector<16xf32>
        %xor3A_194 = arith.constant 2 : i32
        %xor3A_195 = vector.broadcast %xor3A_194 : i32 to vector<16xi32>
        %xor3A_196 = arith.xori %iota3A, %xor3A_195 : vector<16xi32>
        %broadcast_in_dim3A_197 = vector.shape_cast %xor3A_196 : vector<16xi32> to vector<16x1xi32>
        %gather3A_198 = vector.shape_cast %broadcast_in_dim3A_197 : vector<16x1xi32> to vector<16xi32>
        %gather3A_199 = tpu.dynamic_gather %add3A_193[%gather3A_198] in [0] : vector<16xf32>, vector<16xi32> -> vector<16xf32>
        %add3A_200 = arith.addf %add3A_193, %gather3A_199 : vector<16xf32>
        %xor3A_201 = arith.constant 4 : i32
        %xor3A_202 = vector.broadcast %xor3A_201 : i32 to vector<16xi32>
        %xor3A_203 = arith.xori %iota3A, %xor3A_202 : vector<16xi32>
        %broadcast_in_dim3A_204 = vector.shape_cast %xor3A_203 : vector<16xi32> to vector<16x1xi32>
        %gather3A_205 = vector.shape_cast %broadcast_in_dim3A_204 : vector<16x1xi32> to vector<16xi32>
        %gather3A_206 = tpu.dynamic_gather %add3A_200[%gather3A_205] in [0] : vector<16xf32>, vector<16xi32> -> vector<16xf32>
        %add3A_207 = arith.addf %add3A_200, %gather3A_206 : vector<16xf32>
        %xor3A_208 = arith.constant 8 : i32
        %xor3A_209 = vector.broadcast %xor3A_208 : i32 to vector<16xi32>
        %xor3A_210 = arith.xori %iota3A, %xor3A_209 : vector<16xi32>
        %broadcast_in_dim3A_211 = vector.shape_cast %xor3A_210 : vector<16xi32> to vector<16x1xi32>
        %gather3A_212 = vector.shape_cast %broadcast_in_dim3A_211 : vector<16x1xi32> to vector<16xi32>
        %gather3A_213 = tpu.dynamic_gather %add3A_207[%gather3A_212] in [0] : vector<16xf32>, vector<16xi32> -> vector<16xf32>
        %add3A_214 = arith.addf %add3A_207, %gather3A_213 : vector<16xf32>
        %eq3A_215 = arith.constant 2 : i32
        %eq3A_216 = vector.broadcast %eq3A_215 : i32 to vector<16xi32>
        %eq3A_217 = arith.cmpi eq, %iota3A, %eq3A_216 : vector<16xi32>
        %select_n3A_218 = arith.select %eq3A_217, %add3A_214, %select_n3A_155 : vector<16xi1>, vector<16xf32>
        %mul3A_219 = arith.constant 16 : i32
        %mul3A_220 = arith.muli %scan3A_33, %mul3A_219 : i32
        %add3A_221 = arith.constant 3 : i32
        %add3A_222 = arith.addi %mul3A_220, %add3A_221 : i32
        %get3A_223 = arith.index_cast %add3A_222 : i32 to index
        %get3A_224 = arith.constant 0 : index
        %get3A_225 = tpu.vector_load %arg10[%get3A_223, %get3A_224] {strides = array<i32>} : memref<400x32xf32, #tpu.memory_space<vmem>>, vector<1x16xf32>,
        %get3A_226 = vector.shape_cast %get3A_225 : vector<1x16xf32> to vector<16xf32>
        %get3A_227 = arith.index_cast %add3A_222 : i32 to index
        %get3A_228 = arith.constant 0 : index
        %get3A_229 = tpu.vector_load %arg11[%get3A_227, %get3A_228] {strides = array<i32>} : memref<400x32xf32, #tpu.memory_space<vmem>>, vector<1x16xf32>,
        %get3A_230 = vector.shape_cast %get3A_229 : vector<1x16xf32> to vector<16xf32>
        %add3A_231 = arith.addf %get3A_226, %get3A_230 : vector<16xf32>
        %max3A_232 = arith.constant 0.000000e+00 : f32
        %max3A_233 = vector.broadcast %max3A_232 : f32 to vector<16xf32>
        %max3A_234 = arith.maximumf %add3A_231, %max3A_233 : vector<16xf32>
        %get3A_235 = arith.index_cast %add3A_222 : i32 to index
        %get3A_236 = arith.constant 16 : index
        %get3A_237 = tpu.vector_load %arg10[%get3A_235, %get3A_236] {strides = array<i32>} : memref<400x32xf32, #tpu.memory_space<vmem>>, vector<1x16xf32>,
        %get3A_238 = vector.shape_cast %get3A_237 : vector<1x16xf32> to vector<16xf32>
        %get3A_239 = arith.index_cast %add3A_222 : i32 to index
        %get3A_240 = arith.constant 16 : index
        %get3A_241 = tpu.vector_load %arg11[%get3A_239, %get3A_240] {strides = array<i32>} : memref<400x32xf32, #tpu.memory_space<vmem>>, vector<1x16xf32>,
        %get3A_242 = vector.shape_cast %get3A_241 : vector<1x16xf32> to vector<16xf32>
        %add3A_243 = arith.addf %get3A_238, %get3A_242 : vector<16xf32>
        %max3A_244 = arith.constant 0.000000e+00 : f32
        %max3A_245 = vector.broadcast %max3A_244 : f32 to vector<16xf32>
        %max3A_246 = arith.maximumf %add3A_243, %max3A_245 : vector<16xf32>
        %mul3A_247 = arith.mulf %max3A_234, %get3A_4 : vector<16xf32>
        %mul3A_248 = arith.mulf %max3A_246, %get3A_7 : vector<16xf32>
        %add3A_249 = arith.addf %mul3A_247, %mul3A_248 : vector<16xf32>
        %xor3A_250 = arith.constant 1 : i32
        %xor3A_251 = vector.broadcast %xor3A_250 : i32 to vector<16xi32>
        %xor3A_252 = arith.xori %iota3A, %xor3A_251 : vector<16xi32>
        %broadcast_in_dim3A_253 = vector.shape_cast %xor3A_252 : vector<16xi32> to vector<16x1xi32>
        %gather3A_254 = vector.shape_cast %broadcast_in_dim3A_253 : vector<16x1xi32> to vector<16xi32>
        %gather3A_255 = tpu.dynamic_gather %add3A_249[%gather3A_254] in [0] : vector<16xf32>, vector<16xi32> -> vector<16xf32>
        %add3A_256 = arith.addf %add3A_249, %gather3A_255 : vector<16xf32>
        %xor3A_257 = arith.constant 2 : i32
        %xor3A_258 = vector.broadcast %xor3A_257 : i32 to vector<16xi32>
        %xor3A_259 = arith.xori %iota3A, %xor3A_258 : vector<16xi32>
        %broadcast_in_dim3A_260 = vector.shape_cast %xor3A_259 : vector<16xi32> to vector<16x1xi32>
        %gather3A_261 = vector.shape_cast %broadcast_in_dim3A_260 : vector<16x1xi32> to vector<16xi32>
        %gather3A_262 = tpu.dynamic_gather %add3A_256[%gather3A_261] in [0] : vector<16xf32>, vector<16xi32> -> vector<16xf32>
        %add3A_263 = arith.addf %add3A_256, %gather3A_262 : vector<16xf32>
        %xor3A_264 = arith.constant 4 : i32
        %xor3A_265 = vector.broadcast %xor3A_264 : i32 to vector<16xi32>
        %xor3A_266 = arith.xori %iota3A, %xor3A_265 : vector<16xi32>
        %broadcast_in_dim3A_267 = vector.shape_cast %xor3A_266 : vector<16xi32> to vector<16x1xi32>
        %gather3A_268 = vector.shape_cast %broadcast_in_dim3A_267 : vector<16x1xi32> to vector<16xi32>
        %gather3A_269 = tpu.dynamic_gather %add3A_263[%gather3A_268] in [0] : vector<16xf32>, vector<16xi32> -> vector<16xf32>
        %add3A_270 = arith.addf %add3A_263, %gather3A_269 : vector<16xf32>
        %xor3A_271 = arith.constant 8 : i32
        %xor3A_272 = vector.broadcast %xor3A_271 : i32 to vector<16xi32>
        %xor3A_273 = arith.xori %iota3A, %xor3A_272 : vector<16xi32>
        %broadcast_in_dim3A_274 = vector.shape_cast %xor3A_273 : vector<16xi32> to vector<16x1xi32>
        %gather3A_275 = vector.shape_cast %broadcast_in_dim3A_274 : vector<16x1xi32> to vector<16xi32>
        %gather3A_276 = tpu.dynamic_gather %add3A_270[%gather3A_275] in [0] : vector<16xf32>, vector<16xi32> -> vector<16xf32>
        %add3A_277 = arith.addf %add3A_270, %gather3A_276 : vector<16xf32>
        %eq3A_278 = arith.constant 3 : i32
        %eq3A_279 = vector.broadcast %eq3A_278 : i32 to vector<16xi32>
        %eq3A_280 = arith.cmpi eq, %iota3A, %eq3A_279 : vector<16xi32>
        %select_n3A_281 = arith.select %eq3A_280, %add3A_277, %select_n3A_218 : vector<16xi1>, vector<16xf32>
        %mul3A_282 = arith.constant 16 : i32
        %mul3A_283 = arith.muli %scan3A_33, %mul3A_282 : i32
        %add3A_284 = arith.constant 4 : i32
        %add3A_285 = arith.addi %mul3A_283, %add3A_284 : i32
        %get3A_286 = arith.index_cast %add3A_285 : i32 to index
        %get3A_287 = arith.constant 0 : index
        %get3A_288 = tpu.vector_load %arg10[%get3A_286, %get3A_287] {strides = array<i32>} : memref<400x32xf32, #tpu.memory_space<vmem>>, vector<1x16xf32>,
        %get3A_289 = vector.shape_cast %get3A_288 : vector<1x16xf32> to vector<16xf32>
        %get3A_290 = arith.index_cast %add3A_285 : i32 to index
        %get3A_291 = arith.constant 0 : index
        %get3A_292 = tpu.vector_load %arg11[%get3A_290, %get3A_291] {strides = array<i32>} : memref<400x32xf32, #tpu.memory_space<vmem>>, vector<1x16xf32>,
        %get3A_293 = vector.shape_cast %get3A_292 : vector<1x16xf32> to vector<16xf32>
        %add3A_294 = arith.addf %get3A_289, %get3A_293 : vector<16xf32>
        %max3A_295 = arith.constant 0.000000e+00 : f32
        %max3A_296 = vector.broadcast %max3A_295 : f32 to vector<16xf32>
        %max3A_297 = arith.maximumf %add3A_294, %max3A_296 : vector<16xf32>
        %get3A_298 = arith.index_cast %add3A_285 : i32 to index
        %get3A_299 = arith.constant 16 : index
        %get3A_300 = tpu.vector_load %arg10[%get3A_298, %get3A_299] {strides = array<i32>} : memref<400x32xf32, #tpu.memory_space<vmem>>, vector<1x16xf32>,
        %get3A_301 = vector.shape_cast %get3A_300 : vector<1x16xf32> to vector<16xf32>
        %get3A_302 = arith.index_cast %add3A_285 : i32 to index
        %get3A_303 = arith.constant 16 : index
        %get3A_304 = tpu.vector_load %arg11[%get3A_302, %get3A_303] {strides = array<i32>} : memref<400x32xf32, #tpu.memory_space<vmem>>, vector<1x16xf32>,
        %get3A_305 = vector.shape_cast %get3A_304 : vector<1x16xf32> to vector<16xf32>
        %add3A_306 = arith.addf %get3A_301, %get3A_305 : vector<16xf32>
        %max3A_307 = arith.constant 0.000000e+00 : f32
        %max3A_308 = vector.broadcast %max3A_307 : f32 to vector<16xf32>
        %max3A_309 = arith.maximumf %add3A_306, %max3A_308 : vector<16xf32>
        %mul3A_310 = arith.mulf %max3A_297, %get3A_4 : vector<16xf32>
        %mul3A_311 = arith.mulf %max3A_309, %get3A_7 : vector<16xf32>
        %add3A_312 = arith.addf %mul3A_310, %mul3A_311 : vector<16xf32>
        %xor3A_313 = arith.constant 1 : i32
        %xor3A_314 = vector.broadcast %xor3A_313 : i32 to vector<16xi32>
        %xor3A_315 = arith.xori %iota3A, %xor3A_314 : vector<16xi32>
        %broadcast_in_dim3A_316 = vector.shape_cast %xor3A_315 : vector<16xi32> to vector<16x1xi32>
        %gather3A_317 = vector.shape_cast %broadcast_in_dim3A_316 : vector<16x1xi32> to vector<16xi32>
        %gather3A_318 = tpu.dynamic_gather %add3A_312[%gather3A_317] in [0] : vector<16xf32>, vector<16xi32> -> vector<16xf32>
        %add3A_319 = arith.addf %add3A_312, %gather3A_318 : vector<16xf32>
        %xor3A_320 = arith.constant 2 : i32
        %xor3A_321 = vector.broadcast %xor3A_320 : i32 to vector<16xi32>
        %xor3A_322 = arith.xori %iota3A, %xor3A_321 : vector<16xi32>
        %broadcast_in_dim3A_323 = vector.shape_cast %xor3A_322 : vector<16xi32> to vector<16x1xi32>
        %gather3A_324 = vector.shape_cast %broadcast_in_dim3A_323 : vector<16x1xi32> to vector<16xi32>
        %gather3A_325 = tpu.dynamic_gather %add3A_319[%gather3A_324] in [0] : vector<16xf32>, vector<16xi32> -> vector<16xf32>
        %add3A_326 = arith.addf %add3A_319, %gather3A_325 : vector<16xf32>
        %xor3A_327 = arith.constant 4 : i32
        %xor3A_328 = vector.broadcast %xor3A_327 : i32 to vector<16xi32>
        %xor3A_329 = arith.xori %iota3A, %xor3A_328 : vector<16xi32>
        %broadcast_in_dim3A_330 = vector.shape_cast %xor3A_329 : vector<16xi32> to vector<16x1xi32>
        %gather3A_331 = vector.shape_cast %broadcast_in_dim3A_330 : vector<16x1xi32> to vector<16xi32>
        %gather3A_332 = tpu.dynamic_gather %add3A_326[%gather3A_331] in [0] : vector<16xf32>, vector<16xi32> -> vector<16xf32>
        %add3A_333 = arith.addf %add3A_326, %gather3A_332 : vector<16xf32>
        %xor3A_334 = arith.constant 8 : i32
        %xor3A_335 = vector.broadcast %xor3A_334 : i32 to vector<16xi32>
        %xor3A_336 = arith.xori %iota3A, %xor3A_335 : vector<16xi32>
        %broadcast_in_dim3A_337 = vector.shape_cast %xor3A_336 : vector<16xi32> to vector<16x1xi32>
        %gather3A_338 = vector.shape_cast %broadcast_in_dim3A_337 : vector<16x1xi32> to vector<16xi32>
        %gather3A_339 = tpu.dynamic_gather %add3A_333[%gather3A_338] in [0] : vector<16xf32>, vector<16xi32> -> vector<16xf32>
        %add3A_340 = arith.addf %add3A_333, %gather3A_339 : vector<16xf32>
        %eq3A_341 = arith.constant 4 : i32
        %eq3A_342 = vector.broadcast %eq3A_341 : i32 to vector<16xi32>
        %eq3A_343 = arith.cmpi eq, %iota3A, %eq3A_342 : vector<16xi32>
        %select_n3A_344 = arith.select %eq3A_343, %add3A_340, %select_n3A_281 : vector<16xi1>, vector<16xf32>
        %mul3A_345 = arith.constant 16 : i32
        %mul3A_346 = arith.muli %scan3A_33, %mul3A_345 : i32
        %add3A_347 = arith.constant 5 : i32
        %add3A_348 = arith.addi %mul3A_346, %add3A_347 : i32
        %get3A_349 = arith.index_cast %add3A_348 : i32 to index
        %get3A_350 = arith.constant 0 : index
        %get3A_351 = tpu.vector_load %arg10[%get3A_349, %get3A_350] {strides = array<i32>} : memref<400x32xf32, #tpu.memory_space<vmem>>, vector<1x16xf32>,
        %get3A_352 = vector.shape_cast %get3A_351 : vector<1x16xf32> to vector<16xf32>
        %get3A_353 = arith.index_cast %add3A_348 : i32 to index
        %get3A_354 = arith.constant 0 : index
        %get3A_355 = tpu.vector_load %arg11[%get3A_353, %get3A_354] {strides = array<i32>} : memref<400x32xf32, #tpu.memory_space<vmem>>, vector<1x16xf32>,
        %get3A_356 = vector.shape_cast %get3A_355 : vector<1x16xf32> to vector<16xf32>
        %add3A_357 = arith.addf %get3A_352, %get3A_356 : vector<16xf32>
        %max3A_358 = arith.constant 0.000000e+00 : f32
        %max3A_359 = vector.broadcast %max3A_358 : f32 to vector<16xf32>
        %max3A_360 = arith.maximumf %add3A_357, %max3A_359 : vector<16xf32>
        %get3A_361 = arith.index_cast %add3A_348 : i32 to index
        %get3A_362 = arith.constant 16 : index
        %get3A_363 = tpu.vector_load %arg10[%get3A_361, %get3A_362] {strides = array<i32>} : memref<400x32xf32, #tpu.memory_space<vmem>>, vector<1x16xf32>,
        %get3A_364 = vector.shape_cast %get3A_363 : vector<1x16xf32> to vector<16xf32>
        %get3A_365 = arith.index_cast %add3A_348 : i32 to index
        %get3A_366 = arith.constant 16 : index
        %get3A_367 = tpu.vector_load %arg11[%get3A_365, %get3A_366] {strides = array<i32>} : memref<400x32xf32, #tpu.memory_space<vmem>>, vector<1x16xf32>,
        %get3A_368 = vector.shape_cast %get3A_367 : vector<1x16xf32> to vector<16xf32>
        %add3A_369 = arith.addf %get3A_364, %get3A_368 : vector<16xf32>
        %max3A_370 = arith.constant 0.000000e+00 : f32
        %max3A_371 = vector.broadcast %max3A_370 : f32 to vector<16xf32>
        %max3A_372 = arith.maximumf %add3A_369, %max3A_371 : vector<16xf32>
        %mul3A_373 = arith.mulf %max3A_360, %get3A_4 : vector<16xf32>
        %mul3A_374 = arith.mulf %max3A_372, %get3A_7 : vector<16xf32>
        %add3A_375 = arith.addf %mul3A_373, %mul3A_374 : vector<16xf32>
        %xor3A_376 = arith.constant 1 : i32
        %xor3A_377 = vector.broadcast %xor3A_376 : i32 to vector<16xi32>
        %xor3A_378 = arith.xori %iota3A, %xor3A_377 : vector<16xi32>
        %broadcast_in_dim3A_379 = vector.shape_cast %xor3A_378 : vector<16xi32> to vector<16x1xi32>
        %gather3A_380 = vector.shape_cast %broadcast_in_dim3A_379 : vector<16x1xi32> to vector<16xi32>
        %gather3A_381 = tpu.dynamic_gather %add3A_375[%gather3A_380] in [0] : vector<16xf32>, vector<16xi32> -> vector<16xf32>
        %add3A_382 = arith.addf %add3A_375, %gather3A_381 : vector<16xf32>
        %xor3A_383 = arith.constant 2 : i32
        %xor3A_384 = vector.broadcast %xor3A_383 : i32 to vector<16xi32>
        %xor3A_385 = arith.xori %iota3A, %xor3A_384 : vector<16xi32>
        %broadcast_in_dim3A_386 = vector.shape_cast %xor3A_385 : vector<16xi32> to vector<16x1xi32>
        %gather3A_387 = vector.shape_cast %broadcast_in_dim3A_386 : vector<16x1xi32> to vector<16xi32>
        %gather3A_388 = tpu.dynamic_gather %add3A_382[%gather3A_387] in [0] : vector<16xf32>, vector<16xi32> -> vector<16xf32>
        %add3A_389 = arith.addf %add3A_382, %gather3A_388 : vector<16xf32>
        %xor3A_390 = arith.constant 4 : i32
        %xor3A_391 = vector.broadcast %xor3A_390 : i32 to vector<16xi32>
        %xor3A_392 = arith.xori %iota3A, %xor3A_391 : vector<16xi32>
        %broadcast_in_dim3A_393 = vector.shape_cast %xor3A_392 : vector<16xi32> to vector<16x1xi32>
        %gather3A_394 = vector.shape_cast %broadcast_in_dim3A_393 : vector<16x1xi32> to vector<16xi32>
        %gather3A_395 = tpu.dynamic_gather %add3A_389[%gather3A_394] in [0] : vector<16xf32>, vector<16xi32> -> vector<16xf32>
        %add3A_396 = arith.addf %add3A_389, %gather3A_395 : vector<16xf32>
        %xor3A_397 = arith.constant 8 : i32
        %xor3A_398 = vector.broadcast %xor3A_397 : i32 to vector<16xi32>
        %xor3A_399 = arith.xori %iota3A, %xor3A_398 : vector<16xi32>
        %broadcast_in_dim3A_400 = vector.shape_cast %xor3A_399 : vector<16xi32> to vector<16x1xi32>
        %gather3A_401 = vector.shape_cast %broadcast_in_dim3A_400 : vector<16x1xi32> to vector<16xi32>
        %gather3A_402 = tpu.dynamic_gather %add3A_396[%gather3A_401] in [0] : vector<16xf32>, vector<16xi32> -> vector<16xf32>
        %add3A_403 = arith.addf %add3A_396, %gather3A_402 : vector<16xf32>
        %eq3A_404 = arith.constant 5 : i32
        %eq3A_405 = vector.broadcast %eq3A_404 : i32 to vector<16xi32>
        %eq3A_406 = arith.cmpi eq, %iota3A, %eq3A_405 : vector<16xi32>
        %select_n3A_407 = arith.select %eq3A_406, %add3A_403, %select_n3A_344 : vector<16xi1>, vector<16xf32>
        %mul3A_408 = arith.constant 16 : i32
        %mul3A_409 = arith.muli %scan3A_33, %mul3A_408 : i32
        %add3A_410 = arith.constant 6 : i32
        %add3A_411 = arith.addi %mul3A_409, %add3A_410 : i32
        %get3A_412 = arith.index_cast %add3A_411 : i32 to index
        %get3A_413 = arith.constant 0 : index
        %get3A_414 = tpu.vector_load %arg10[%get3A_412, %get3A_413] {strides = array<i32>} : memref<400x32xf32, #tpu.memory_space<vmem>>, vector<1x16xf32>,
        %get3A_415 = vector.shape_cast %get3A_414 : vector<1x16xf32> to vector<16xf32>
        %get3A_416 = arith.index_cast %add3A_411 : i32 to index
        %get3A_417 = arith.constant 0 : index
        %get3A_418 = tpu.vector_load %arg11[%get3A_416, %get3A_417] {strides = array<i32>} : memref<400x32xf32, #tpu.memory_space<vmem>>, vector<1x16xf32>,
        %get3A_419 = vector.shape_cast %get3A_418 : vector<1x16xf32> to vector<16xf32>
        %add3A_420 = arith.addf %get3A_415, %get3A_419 : vector<16xf32>
        %max3A_421 = arith.constant 0.000000e+00 : f32
        %max3A_422 = vector.broadcast %max3A_421 : f32 to vector<16xf32>
        %max3A_423 = arith.maximumf %add3A_420, %max3A_422 : vector<16xf32>
        %get3A_424 = arith.index_cast %add3A_411 : i32 to index
        %get3A_425 = arith.constant 16 : index
        %get3A_426 = tpu.vector_load %arg10[%get3A_424, %get3A_425] {strides = array<i32>} : memref<400x32xf32, #tpu.memory_space<vmem>>, vector<1x16xf32>,
        %get3A_427 = vector.shape_cast %get3A_426 : vector<1x16xf32> to vector<16xf32>
        %get3A_428 = arith.index_cast %add3A_411 : i32 to index
        %get3A_429 = arith.constant 16 : index
        %get3A_430 = tpu.vector_load %arg11[%get3A_428, %get3A_429] {strides = array<i32>} : memref<400x32xf32, #tpu.memory_space<vmem>>, vector<1x16xf32>,
        %get3A_431 = vector.shape_cast %get3A_430 : vector<1x16xf32> to vector<16xf32>
        %add3A_432 = arith.addf %get3A_427, %get3A_431 : vector<16xf32>
        %max3A_433 = arith.constant 0.000000e+00 : f32
        %max3A_434 = vector.broadcast %max3A_433 : f32 to vector<16xf32>
        %max3A_435 = arith.maximumf %add3A_432, %max3A_434 : vector<16xf32>
        %mul3A_436 = arith.mulf %max3A_423, %get3A_4 : vector<16xf32>
        %mul3A_437 = arith.mulf %max3A_435, %get3A_7 : vector<16xf32>
        %add3A_438 = arith.addf %mul3A_436, %mul3A_437 : vector<16xf32>
        %xor3A_439 = arith.constant 1 : i32
        %xor3A_440 = vector.broadcast %xor3A_439 : i32 to vector<16xi32>
        %xor3A_441 = arith.xori %iota3A, %xor3A_440 : vector<16xi32>
        %broadcast_in_dim3A_442 = vector.shape_cast %xor3A_441 : vector<16xi32> to vector<16x1xi32>
        %gather3A_443 = vector.shape_cast %broadcast_in_dim3A_442 : vector<16x1xi32> to vector<16xi32>
        %gather3A_444 = tpu.dynamic_gather %add3A_438[%gather3A_443] in [0] : vector<16xf32>, vector<16xi32> -> vector<16xf32>
        %add3A_445 = arith.addf %add3A_438, %gather3A_444 : vector<16xf32>
        %xor3A_446 = arith.constant 2 : i32
        %xor3A_447 = vector.broadcast %xor3A_446 : i32 to vector<16xi32>
        %xor3A_448 = arith.xori %iota3A, %xor3A_447 : vector<16xi32>
        %broadcast_in_dim3A_449 = vector.shape_cast %xor3A_448 : vector<16xi32> to vector<16x1xi32>
        %gather3A_450 = vector.shape_cast %broadcast_in_dim3A_449 : vector<16x1xi32> to vector<16xi32>
        %gather3A_451 = tpu.dynamic_gather %add3A_445[%gather3A_450] in [0] : vector<16xf32>, vector<16xi32> -> vector<16xf32>
        %add3A_452 = arith.addf %add3A_445, %gather3A_451 : vector<16xf32>
        %xor3A_453 = arith.constant 4 : i32
        %xor3A_454 = vector.broadcast %xor3A_453 : i32 to vector<16xi32>
        %xor3A_455 = arith.xori %iota3A, %xor3A_454 : vector<16xi32>
        %broadcast_in_dim3A_456 = vector.shape_cast %xor3A_455 : vector<16xi32> to vector<16x1xi32>
        %gather3A_457 = vector.shape_cast %broadcast_in_dim3A_456 : vector<16x1xi32> to vector<16xi32>
        %gather3A_458 = tpu.dynamic_gather %add3A_452[%gather3A_457] in [0] : vector<16xf32>, vector<16xi32> -> vector<16xf32>
        %add3A_459 = arith.addf %add3A_452, %gather3A_458 : vector<16xf32>
        %xor3A_460 = arith.constant 8 : i32
        %xor3A_461 = vector.broadcast %xor3A_460 : i32 to vector<16xi32>
        %xor3A_462 = arith.xori %iota3A, %xor3A_461 : vector<16xi32>
        %broadcast_in_dim3A_463 = vector.shape_cast %xor3A_462 : vector<16xi32> to vector<16x1xi32>
        %gather3A_464 = vector.shape_cast %broadcast_in_dim3A_463 : vector<16x1xi32> to vector<16xi32>
        %gather3A_465 = tpu.dynamic_gather %add3A_459[%gather3A_464] in [0] : vector<16xf32>, vector<16xi32> -> vector<16xf32>
        %add3A_466 = arith.addf %add3A_459, %gather3A_465 : vector<16xf32>
        %eq3A_467 = arith.constant 6 : i32
        %eq3A_468 = vector.broadcast %eq3A_467 : i32 to vector<16xi32>
        %eq3A_469 = arith.cmpi eq, %iota3A, %eq3A_468 : vector<16xi32>
        %select_n3A_470 = arith.select %eq3A_469, %add3A_466, %select_n3A_407 : vector<16xi1>, vector<16xf32>
        %mul3A_471 = arith.constant 16 : i32
        %mul3A_472 = arith.muli %scan3A_33, %mul3A_471 : i32
        %add3A_473 = arith.constant 7 : i32
        %add3A_474 = arith.addi %mul3A_472, %add3A_473 : i32
        %get3A_475 = arith.index_cast %add3A_474 : i32 to index
        %get3A_476 = arith.constant 0 : index
        %get3A_477 = tpu.vector_load %arg10[%get3A_475, %get3A_476] {strides = array<i32>} : memref<400x32xf32, #tpu.memory_space<vmem>>, vector<1x16xf32>,
        %get3A_478 = vector.shape_cast %get3A_477 : vector<1x16xf32> to vector<16xf32>
        %get3A_479 = arith.index_cast %add3A_474 : i32 to index
        %get3A_480 = arith.constant 0 : index
        %get3A_481 = tpu.vector_load %arg11[%get3A_479, %get3A_480] {strides = array<i32>} : memref<400x32xf32, #tpu.memory_space<vmem>>, vector<1x16xf32>,
        %get3A_482 = vector.shape_cast %get3A_481 : vector<1x16xf32> to vector<16xf32>
        %add3A_483 = arith.addf %get3A_478, %get3A_482 : vector<16xf32>
        %max3A_484 = arith.constant 0.000000e+00 : f32
        %max3A_485 = vector.broadcast %max3A_484 : f32 to vector<16xf32>
        %max3A_486 = arith.maximumf %add3A_483, %max3A_485 : vector<16xf32>
        %get3A_487 = arith.index_cast %add3A_474 : i32 to index
        %get3A_488 = arith.constant 16 : index
        %get3A_489 = tpu.vector_load %arg10[%get3A_487, %get3A_488] {strides = array<i32>} : memref<400x32xf32, #tpu.memory_space<vmem>>, vector<1x16xf32>,
        %get3A_490 = vector.shape_cast %get3A_489 : vector<1x16xf32> to vector<16xf32>
        %get3A_491 = arith.index_cast %add3A_474 : i32 to index
        %get3A_492 = arith.constant 16 : index
        %get3A_493 = tpu.vector_load %arg11[%get3A_491, %get3A_492] {strides = array<i32>} : memref<400x32xf32, #tpu.memory_space<vmem>>, vector<1x16xf32>,
        %get3A_494 = vector.shape_cast %get3A_493 : vector<1x16xf32> to vector<16xf32>
        %add3A_495 = arith.addf %get3A_490, %get3A_494 : vector<16xf32>
        %max3A_496 = arith.constant 0.000000e+00 : f32
        %max3A_497 = vector.broadcast %max3A_496 : f32 to vector<16xf32>
        %max3A_498 = arith.maximumf %add3A_495, %max3A_497 : vector<16xf32>
        %mul3A_499 = arith.mulf %max3A_486, %get3A_4 : vector<16xf32>
        %mul3A_500 = arith.mulf %max3A_498, %get3A_7 : vector<16xf32>
        %add3A_501 = arith.addf %mul3A_499, %mul3A_500 : vector<16xf32>
        %xor3A_502 = arith.constant 1 : i32
        %xor3A_503 = vector.broadcast %xor3A_502 : i32 to vector<16xi32>
        %xor3A_504 = arith.xori %iota3A, %xor3A_503 : vector<16xi32>
        %broadcast_in_dim3A_505 = vector.shape_cast %xor3A_504 : vector<16xi32> to vector<16x1xi32>
        %gather3A_506 = vector.shape_cast %broadcast_in_dim3A_505 : vector<16x1xi32> to vector<16xi32>
        %gather3A_507 = tpu.dynamic_gather %add3A_501[%gather3A_506] in [0] : vector<16xf32>, vector<16xi32> -> vector<16xf32>
        %add3A_508 = arith.addf %add3A_501, %gather3A_507 : vector<16xf32>
        %xor3A_509 = arith.constant 2 : i32
        %xor3A_510 = vector.broadcast %xor3A_509 : i32 to vector<16xi32>
        %xor3A_511 = arith.xori %iota3A, %xor3A_510 : vector<16xi32>
        %broadcast_in_dim3A_512 = vector.shape_cast %xor3A_511 : vector<16xi32> to vector<16x1xi32>
        %gather3A_513 = vector.shape_cast %broadcast_in_dim3A_512 : vector<16x1xi32> to vector<16xi32>
        %gather3A_514 = tpu.dynamic_gather %add3A_508[%gather3A_513] in [0] : vector<16xf32>, vector<16xi32> -> vector<16xf32>
        %add3A_515 = arith.addf %add3A_508, %gather3A_514 : vector<16xf32>
        %xor3A_516 = arith.constant 4 : i32
        %xor3A_517 = vector.broadcast %xor3A_516 : i32 to vector<16xi32>
        %xor3A_518 = arith.xori %iota3A, %xor3A_517 : vector<16xi32>
        %broadcast_in_dim3A_519 = vector.shape_cast %xor3A_518 : vector<16xi32> to vector<16x1xi32>
        %gather3A_520 = vector.shape_cast %broadcast_in_dim3A_519 : vector<16x1xi32> to vector<16xi32>
        %gather3A_521 = tpu.dynamic_gather %add3A_515[%gather3A_520] in [0] : vector<16xf32>, vector<16xi32> -> vector<16xf32>
        %add3A_522 = arith.addf %add3A_515, %gather3A_521 : vector<16xf32>
        %xor3A_523 = arith.constant 8 : i32
        %xor3A_524 = vector.broadcast %xor3A_523 : i32 to vector<16xi32>
        %xor3A_525 = arith.xori %iota3A, %xor3A_524 : vector<16xi32>
        %broadcast_in_dim3A_526 = vector.shape_cast %xor3A_525 : vector<16xi32> to vector<16x1xi32>
        %gather3A_527 = vector.shape_cast %broadcast_in_dim3A_526 : vector<16x1xi32> to vector<16xi32>
        %gather3A_528 = tpu.dynamic_gather %add3A_522[%gather3A_527] in [0] : vector<16xf32>, vector<16xi32> -> vector<16xf32>
        %add3A_529 = arith.addf %add3A_522, %gather3A_528 : vector<16xf32>
        %eq3A_530 = arith.constant 7 : i32
        %eq3A_531 = vector.broadcast %eq3A_530 : i32 to vector<16xi32>
        %eq3A_532 = arith.cmpi eq, %iota3A, %eq3A_531 : vector<16xi32>
        %select_n3A_533 = arith.select %eq3A_532, %add3A_529, %select_n3A_470 : vector<16xi1>, vector<16xf32>
        %mul3A_534 = arith.constant 16 : i32
        %mul3A_535 = arith.muli %scan3A_33, %mul3A_534 : i32
        %add3A_536 = arith.constant 8 : i32
        %add3A_537 = arith.addi %mul3A_535, %add3A_536 : i32
        %get3A_538 = arith.index_cast %add3A_537 : i32 to index
        %get3A_539 = arith.constant 0 : index
        %get3A_540 = tpu.vector_load %arg10[%get3A_538, %get3A_539] {strides = array<i32>} : memref<400x32xf32, #tpu.memory_space<vmem>>, vector<1x16xf32>,
        %get3A_541 = vector.shape_cast %get3A_540 : vector<1x16xf32> to vector<16xf32>
        %get3A_542 = arith.index_cast %add3A_537 : i32 to index
        %get3A_543 = arith.constant 0 : index
        %get3A_544 = tpu.vector_load %arg11[%get3A_542, %get3A_543] {strides = array<i32>} : memref<400x32xf32, #tpu.memory_space<vmem>>, vector<1x16xf32>,
        %get3A_545 = vector.shape_cast %get3A_544 : vector<1x16xf32> to vector<16xf32>
        %add3A_546 = arith.addf %get3A_541, %get3A_545 : vector<16xf32>
        %max3A_547 = arith.constant 0.000000e+00 : f32
        %max3A_548 = vector.broadcast %max3A_547 : f32 to vector<16xf32>
        %max3A_549 = arith.maximumf %add3A_546, %max3A_548 : vector<16xf32>
        %get3A_550 = arith.index_cast %add3A_537 : i32 to index
        %get3A_551 = arith.constant 16 : index
        %get3A_552 = tpu.vector_load %arg10[%get3A_550, %get3A_551] {strides = array<i32>} : memref<400x32xf32, #tpu.memory_space<vmem>>, vector<1x16xf32>,
        %get3A_553 = vector.shape_cast %get3A_552 : vector<1x16xf32> to vector<16xf32>
        %get3A_554 = arith.index_cast %add3A_537 : i32 to index
        %get3A_555 = arith.constant 16 : index
        %get3A_556 = tpu.vector_load %arg11[%get3A_554, %get3A_555] {strides = array<i32>} : memref<400x32xf32, #tpu.memory_space<vmem>>, vector<1x16xf32>,
        %get3A_557 = vector.shape_cast %get3A_556 : vector<1x16xf32> to vector<16xf32>
        %add3A_558 = arith.addf %get3A_553, %get3A_557 : vector<16xf32>
        %max3A_559 = arith.constant 0.000000e+00 : f32
        %max3A_560 = vector.broadcast %max3A_559 : f32 to vector<16xf32>
        %max3A_561 = arith.maximumf %add3A_558, %max3A_560 : vector<16xf32>
        %mul3A_562 = arith.mulf %max3A_549, %get3A_4 : vector<16xf32>
        %mul3A_563 = arith.mulf %max3A_561, %get3A_7 : vector<16xf32>
        %add3A_564 = arith.addf %mul3A_562, %mul3A_563 : vector<16xf32>
        %xor3A_565 = arith.constant 1 : i32
        %xor3A_566 = vector.broadcast %xor3A_565 : i32 to vector<16xi32>
        %xor3A_567 = arith.xori %iota3A, %xor3A_566 : vector<16xi32>
        %broadcast_in_dim3A_568 = vector.shape_cast %xor3A_567 : vector<16xi32> to vector<16x1xi32>
        %gather3A_569 = vector.shape_cast %broadcast_in_dim3A_568 : vector<16x1xi32> to vector<16xi32>
        %gather3A_570 = tpu.dynamic_gather %add3A_564[%gather3A_569] in [0] : vector<16xf32>, vector<16xi32> -> vector<16xf32>
        %add3A_571 = arith.addf %add3A_564, %gather3A_570 : vector<16xf32>
        %xor3A_572 = arith.constant 2 : i32
        %xor3A_573 = vector.broadcast %xor3A_572 : i32 to vector<16xi32>
        %xor3A_574 = arith.xori %iota3A, %xor3A_573 : vector<16xi32>
        %broadcast_in_dim3A_575 = vector.shape_cast %xor3A_574 : vector<16xi32> to vector<16x1xi32>
        %gather3A_576 = vector.shape_cast %broadcast_in_dim3A_575 : vector<16x1xi32> to vector<16xi32>
        %gather3A_577 = tpu.dynamic_gather %add3A_571[%gather3A_576] in [0] : vector<16xf32>, vector<16xi32> -> vector<16xf32>
        %add3A_578 = arith.addf %add3A_571, %gather3A_577 : vector<16xf32>
        %xor3A_579 = arith.constant 4 : i32
        %xor3A_580 = vector.broadcast %xor3A_579 : i32 to vector<16xi32>
        %xor3A_581 = arith.xori %iota3A, %xor3A_580 : vector<16xi32>
        %broadcast_in_dim3A_582 = vector.shape_cast %xor3A_581 : vector<16xi32> to vector<16x1xi32>
        %gather3A_583 = vector.shape_cast %broadcast_in_dim3A_582 : vector<16x1xi32> to vector<16xi32>
        %gather3A_584 = tpu.dynamic_gather %add3A_578[%gather3A_583] in [0] : vector<16xf32>, vector<16xi32> -> vector<16xf32>
        %add3A_585 = arith.addf %add3A_578, %gather3A_584 : vector<16xf32>
        %xor3A_586 = arith.constant 8 : i32
        %xor3A_587 = vector.broadcast %xor3A_586 : i32 to vector<16xi32>
        %xor3A_588 = arith.xori %iota3A, %xor3A_587 : vector<16xi32>
        %broadcast_in_dim3A_589 = vector.shape_cast %xor3A_588 : vector<16xi32> to vector<16x1xi32>
        %gather3A_590 = vector.shape_cast %broadcast_in_dim3A_589 : vector<16x1xi32> to vector<16xi32>
        %gather3A_591 = tpu.dynamic_gather %add3A_585[%gather3A_590] in [0] : vector<16xf32>, vector<16xi32> -> vector<16xf32>
        %add3A_592 = arith.addf %add3A_585, %gather3A_591 : vector<16xf32>
        %eq3A_593 = arith.constant 8 : i32
        %eq3A_594 = vector.broadcast %eq3A_593 : i32 to vector<16xi32>
        %eq3A_595 = arith.cmpi eq, %iota3A, %eq3A_594 : vector<16xi32>
        %select_n3A_596 = arith.select %eq3A_595, %add3A_592, %select_n3A_533 : vector<16xi1>, vector<16xf32>
        %mul3A_597 = arith.constant 16 : i32
        %mul3A_598 = arith.muli %scan3A_33, %mul3A_597 : i32
        %add3A_599 = arith.constant 9 : i32
        %add3A_600 = arith.addi %mul3A_598, %add3A_599 : i32
        %get3A_601 = arith.index_cast %add3A_600 : i32 to index
        %get3A_602 = arith.constant 0 : index
        %get3A_603 = tpu.vector_load %arg10[%get3A_601, %get3A_602] {strides = array<i32>} : memref<400x32xf32, #tpu.memory_space<vmem>>, vector<1x16xf32>,
        %get3A_604 = vector.shape_cast %get3A_603 : vector<1x16xf32> to vector<16xf32>
        %get3A_605 = arith.index_cast %add3A_600 : i32 to index
        %get3A_606 = arith.constant 0 : index
        %get3A_607 = tpu.vector_load %arg11[%get3A_605, %get3A_606] {strides = array<i32>} : memref<400x32xf32, #tpu.memory_space<vmem>>, vector<1x16xf32>,
        %get3A_608 = vector.shape_cast %get3A_607 : vector<1x16xf32> to vector<16xf32>
        %add3A_609 = arith.addf %get3A_604, %get3A_608 : vector<16xf32>
        %max3A_610 = arith.constant 0.000000e+00 : f32
        %max3A_611 = vector.broadcast %max3A_610 : f32 to vector<16xf32>
        %max3A_612 = arith.maximumf %add3A_609, %max3A_611 : vector<16xf32>
        %get3A_613 = arith.index_cast %add3A_600 : i32 to index
        %get3A_614 = arith.constant 16 : index
        %get3A_615 = tpu.vector_load %arg10[%get3A_613, %get3A_614] {strides = array<i32>} : memref<400x32xf32, #tpu.memory_space<vmem>>, vector<1x16xf32>,
        %get3A_616 = vector.shape_cast %get3A_615 : vector<1x16xf32> to vector<16xf32>
        %get3A_617 = arith.index_cast %add3A_600 : i32 to index
        %get3A_618 = arith.constant 16 : index
        %get3A_619 = tpu.vector_load %arg11[%get3A_617, %get3A_618] {strides = array<i32>} : memref<400x32xf32, #tpu.memory_space<vmem>>, vector<1x16xf32>,
        %get3A_620 = vector.shape_cast %get3A_619 : vector<1x16xf32> to vector<16xf32>
        %add3A_621 = arith.addf %get3A_616, %get3A_620 : vector<16xf32>
        %max3A_622 = arith.constant 0.000000e+00 : f32
        %max3A_623 = vector.broadcast %max3A_622 : f32 to vector<16xf32>
        %max3A_624 = arith.maximumf %add3A_621, %max3A_623 : vector<16xf32>
        %mul3A_625 = arith.mulf %max3A_612, %get3A_4 : vector<16xf32>
        %mul3A_626 = arith.mulf %max3A_624, %get3A_7 : vector<16xf32>
        %add3A_627 = arith.addf %mul3A_625, %mul3A_626 : vector<16xf32>
        %xor3A_628 = arith.constant 1 : i32
        %xor3A_629 = vector.broadcast %xor3A_628 : i32 to vector<16xi32>
        %xor3A_630 = arith.xori %iota3A, %xor3A_629 : vector<16xi32>
        %broadcast_in_dim3A_631 = vector.shape_cast %xor3A_630 : vector<16xi32> to vector<16x1xi32>
        %gather3A_632 = vector.shape_cast %broadcast_in_dim3A_631 : vector<16x1xi32> to vector<16xi32>
        %gather3A_633 = tpu.dynamic_gather %add3A_627[%gather3A_632] in [0] : vector<16xf32>, vector<16xi32> -> vector<16xf32>
        %add3A_634 = arith.addf %add3A_627, %gather3A_633 : vector<16xf32>
        %xor3A_635 = arith.constant 2 : i32
        %xor3A_636 = vector.broadcast %xor3A_635 : i32 to vector<16xi32>
        %xor3A_637 = arith.xori %iota3A, %xor3A_636 : vector<16xi32>
        %broadcast_in_dim3A_638 = vector.shape_cast %xor3A_637 : vector<16xi32> to vector<16x1xi32>
        %gather3A_639 = vector.shape_cast %broadcast_in_dim3A_638 : vector<16x1xi32> to vector<16xi32>
        %gather3A_640 = tpu.dynamic_gather %add3A_634[%gather3A_639] in [0] : vector<16xf32>, vector<16xi32> -> vector<16xf32>
        %add3A_641 = arith.addf %add3A_634, %gather3A_640 : vector<16xf32>
        %xor3A_642 = arith.constant 4 : i32
        %xor3A_643 = vector.broadcast %xor3A_642 : i32 to vector<16xi32>
        %xor3A_644 = arith.xori %iota3A, %xor3A_643 : vector<16xi32>
        %broadcast_in_dim3A_645 = vector.shape_cast %xor3A_644 : vector<16xi32> to vector<16x1xi32>
        %gather3A_646 = vector.shape_cast %broadcast_in_dim3A_645 : vector<16x1xi32> to vector<16xi32>
        %gather3A_647 = tpu.dynamic_gather %add3A_641[%gather3A_646] in [0] : vector<16xf32>, vector<16xi32> -> vector<16xf32>
        %add3A_648 = arith.addf %add3A_641, %gather3A_647 : vector<16xf32>
        %xor3A_649 = arith.constant 8 : i32
        %xor3A_650 = vector.broadcast %xor3A_649 : i32 to vector<16xi32>
        %xor3A_651 = arith.xori %iota3A, %xor3A_650 : vector<16xi32>
        %broadcast_in_dim3A_652 = vector.shape_cast %xor3A_651 : vector<16xi32> to vector<16x1xi32>
        %gather3A_653 = vector.shape_cast %broadcast_in_dim3A_652 : vector<16x1xi32> to vector<16xi32>
        %gather3A_654 = tpu.dynamic_gather %add3A_648[%gather3A_653] in [0] : vector<16xf32>, vector<16xi32> -> vector<16xf32>
        %add3A_655 = arith.addf %add3A_648, %gather3A_654 : vector<16xf32>
        %eq3A_656 = arith.constant 9 : i32
        %eq3A_657 = vector.broadcast %eq3A_656 : i32 to vector<16xi32>
        %eq3A_658 = arith.cmpi eq, %iota3A, %eq3A_657 : vector<16xi32>
        %select_n3A_659 = arith.select %eq3A_658, %add3A_655, %select_n3A_596 : vector<16xi1>, vector<16xf32>
        %mul3A_660 = arith.constant 16 : i32
        %mul3A_661 = arith.muli %scan3A_33, %mul3A_660 : i32
        %add3A_662 = arith.constant 10 : i32
        %add3A_663 = arith.addi %mul3A_661, %add3A_662 : i32
        %get3A_664 = arith.index_cast %add3A_663 : i32 to index
        %get3A_665 = arith.constant 0 : index
        %get3A_666 = tpu.vector_load %arg10[%get3A_664, %get3A_665] {strides = array<i32>} : memref<400x32xf32, #tpu.memory_space<vmem>>, vector<1x16xf32>,
        %get3A_667 = vector.shape_cast %get3A_666 : vector<1x16xf32> to vector<16xf32>
        %get3A_668 = arith.index_cast %add3A_663 : i32 to index
        %get3A_669 = arith.constant 0 : index
        %get3A_670 = tpu.vector_load %arg11[%get3A_668, %get3A_669] {strides = array<i32>} : memref<400x32xf32, #tpu.memory_space<vmem>>, vector<1x16xf32>,
        %get3A_671 = vector.shape_cast %get3A_670 : vector<1x16xf32> to vector<16xf32>
        %add3A_672 = arith.addf %get3A_667, %get3A_671 : vector<16xf32>
        %max3A_673 = arith.constant 0.000000e+00 : f32
        %max3A_674 = vector.broadcast %max3A_673 : f32 to vector<16xf32>
        %max3A_675 = arith.maximumf %add3A_672, %max3A_674 : vector<16xf32>
        %get3A_676 = arith.index_cast %add3A_663 : i32 to index
        %get3A_677 = arith.constant 16 : index
        %get3A_678 = tpu.vector_load %arg10[%get3A_676, %get3A_677] {strides = array<i32>} : memref<400x32xf32, #tpu.memory_space<vmem>>, vector<1x16xf32>,
        %get3A_679 = vector.shape_cast %get3A_678 : vector<1x16xf32> to vector<16xf32>
        %get3A_680 = arith.index_cast %add3A_663 : i32 to index
        %get3A_681 = arith.constant 16 : index
        %get3A_682 = tpu.vector_load %arg11[%get3A_680, %get3A_681] {strides = array<i32>} : memref<400x32xf32, #tpu.memory_space<vmem>>, vector<1x16xf32>,
        %get3A_683 = vector.shape_cast %get3A_682 : vector<1x16xf32> to vector<16xf32>
        %add3A_684 = arith.addf %get3A_679, %get3A_683 : vector<16xf32>
        %max3A_685 = arith.constant 0.000000e+00 : f32
        %max3A_686 = vector.broadcast %max3A_685 : f32 to vector<16xf32>
        %max3A_687 = arith.maximumf %add3A_684, %max3A_686 : vector<16xf32>
        %mul3A_688 = arith.mulf %max3A_675, %get3A_4 : vector<16xf32>
        %mul3A_689 = arith.mulf %max3A_687, %get3A_7 : vector<16xf32>
        %add3A_690 = arith.addf %mul3A_688, %mul3A_689 : vector<16xf32>
        %xor3A_691 = arith.constant 1 : i32
        %xor3A_692 = vector.broadcast %xor3A_691 : i32 to vector<16xi32>
        %xor3A_693 = arith.xori %iota3A, %xor3A_692 : vector<16xi32>
        %broadcast_in_dim3A_694 = vector.shape_cast %xor3A_693 : vector<16xi32> to vector<16x1xi32>
        %gather3A_695 = vector.shape_cast %broadcast_in_dim3A_694 : vector<16x1xi32> to vector<16xi32>
        %gather3A_696 = tpu.dynamic_gather %add3A_690[%gather3A_695] in [0] : vector<16xf32>, vector<16xi32> -> vector<16xf32>
        %add3A_697 = arith.addf %add3A_690, %gather3A_696 : vector<16xf32>
        %xor3A_698 = arith.constant 2 : i32
        %xor3A_699 = vector.broadcast %xor3A_698 : i32 to vector<16xi32>
        %xor3A_700 = arith.xori %iota3A, %xor3A_699 : vector<16xi32>
        %broadcast_in_dim3A_701 = vector.shape_cast %xor3A_700 : vector<16xi32> to vector<16x1xi32>
        %gather3A_702 = vector.shape_cast %broadcast_in_dim3A_701 : vector<16x1xi32> to vector<16xi32>
        %gather3A_703 = tpu.dynamic_gather %add3A_697[%gather3A_702] in [0] : vector<16xf32>, vector<16xi32> -> vector<16xf32>
        %add3A_704 = arith.addf %add3A_697, %gather3A_703 : vector<16xf32>
        %xor3A_705 = arith.constant 4 : i32
        %xor3A_706 = vector.broadcast %xor3A_705 : i32 to vector<16xi32>
        %xor3A_707 = arith.xori %iota3A, %xor3A_706 : vector<16xi32>
        %broadcast_in_dim3A_708 = vector.shape_cast %xor3A_707 : vector<16xi32> to vector<16x1xi32>
        %gather3A_709 = vector.shape_cast %broadcast_in_dim3A_708 : vector<16x1xi32> to vector<16xi32>
        %gather3A_710 = tpu.dynamic_gather %add3A_704[%gather3A_709] in [0] : vector<16xf32>, vector<16xi32> -> vector<16xf32>
        %add3A_711 = arith.addf %add3A_704, %gather3A_710 : vector<16xf32>
        %xor3A_712 = arith.constant 8 : i32
        %xor3A_713 = vector.broadcast %xor3A_712 : i32 to vector<16xi32>
        %xor3A_714 = arith.xori %iota3A, %xor3A_713 : vector<16xi32>
        %broadcast_in_dim3A_715 = vector.shape_cast %xor3A_714 : vector<16xi32> to vector<16x1xi32>
        %gather3A_716 = vector.shape_cast %broadcast_in_dim3A_715 : vector<16x1xi32> to vector<16xi32>
        %gather3A_717 = tpu.dynamic_gather %add3A_711[%gather3A_716] in [0] : vector<16xf32>, vector<16xi32> -> vector<16xf32>
        %add3A_718 = arith.addf %add3A_711, %gather3A_717 : vector<16xf32>
        %eq3A_719 = arith.constant 10 : i32
        %eq3A_720 = vector.broadcast %eq3A_719 : i32 to vector<16xi32>
        %eq3A_721 = arith.cmpi eq, %iota3A, %eq3A_720 : vector<16xi32>
        %select_n3A_722 = arith.select %eq3A_721, %add3A_718, %select_n3A_659 : vector<16xi1>, vector<16xf32>
        %mul3A_723 = arith.constant 16 : i32
        %mul3A_724 = arith.muli %scan3A_33, %mul3A_723 : i32
        %add3A_725 = arith.constant 11 : i32
        %add3A_726 = arith.addi %mul3A_724, %add3A_725 : i32
        %get3A_727 = arith.index_cast %add3A_726 : i32 to index
        %get3A_728 = arith.constant 0 : index
        %get3A_729 = tpu.vector_load %arg10[%get3A_727, %get3A_728] {strides = array<i32>} : memref<400x32xf32, #tpu.memory_space<vmem>>, vector<1x16xf32>,
        %get3A_730 = vector.shape_cast %get3A_729 : vector<1x16xf32> to vector<16xf32>
        %get3A_731 = arith.index_cast %add3A_726 : i32 to index
        %get3A_732 = arith.constant 0 : index
        %get3A_733 = tpu.vector_load %arg11[%get3A_731, %get3A_732] {strides = array<i32>} : memref<400x32xf32, #tpu.memory_space<vmem>>, vector<1x16xf32>,
        %get3A_734 = vector.shape_cast %get3A_733 : vector<1x16xf32> to vector<16xf32>
        %add3A_735 = arith.addf %get3A_730, %get3A_734 : vector<16xf32>
        %max3A_736 = arith.constant 0.000000e+00 : f32
        %max3A_737 = vector.broadcast %max3A_736 : f32 to vector<16xf32>
        %max3A_738 = arith.maximumf %add3A_735, %max3A_737 : vector<16xf32>
        %get3A_739 = arith.index_cast %add3A_726 : i32 to index
        %get3A_740 = arith.constant 16 : index
        %get3A_741 = tpu.vector_load %arg10[%get3A_739, %get3A_740] {strides = array<i32>} : memref<400x32xf32, #tpu.memory_space<vmem>>, vector<1x16xf32>,
        %get3A_742 = vector.shape_cast %get3A_741 : vector<1x16xf32> to vector<16xf32>
        %get3A_743 = arith.index_cast %add3A_726 : i32 to index
        %get3A_744 = arith.constant 16 : index
        %get3A_745 = tpu.vector_load %arg11[%get3A_743, %get3A_744] {strides = array<i32>} : memref<400x32xf32, #tpu.memory_space<vmem>>, vector<1x16xf32>,
        %get3A_746 = vector.shape_cast %get3A_745 : vector<1x16xf32> to vector<16xf32>
        %add3A_747 = arith.addf %get3A_742, %get3A_746 : vector<16xf32>
        %max3A_748 = arith.constant 0.000000e+00 : f32
        %max3A_749 = vector.broadcast %max3A_748 : f32 to vector<16xf32>
        %max3A_750 = arith.maximumf %add3A_747, %max3A_749 : vector<16xf32>
        %mul3A_751 = arith.mulf %max3A_738, %get3A_4 : vector<16xf32>
        %mul3A_752 = arith.mulf %max3A_750, %get3A_7 : vector<16xf32>
        %add3A_753 = arith.addf %mul3A_751, %mul3A_752 : vector<16xf32>
        %xor3A_754 = arith.constant 1 : i32
        %xor3A_755 = vector.broadcast %xor3A_754 : i32 to vector<16xi32>
        %xor3A_756 = arith.xori %iota3A, %xor3A_755 : vector<16xi32>
        %broadcast_in_dim3A_757 = vector.shape_cast %xor3A_756 : vector<16xi32> to vector<16x1xi32>
        %gather3A_758 = vector.shape_cast %broadcast_in_dim3A_757 : vector<16x1xi32> to vector<16xi32>
        %gather3A_759 = tpu.dynamic_gather %add3A_753[%gather3A_758] in [0] : vector<16xf32>, vector<16xi32> -> vector<16xf32>
        %add3A_760 = arith.addf %add3A_753, %gather3A_759 : vector<16xf32>
        %xor3A_761 = arith.constant 2 : i32
        %xor3A_762 = vector.broadcast %xor3A_761 : i32 to vector<16xi32>
        %xor3A_763 = arith.xori %iota3A, %xor3A_762 : vector<16xi32>
        %broadcast_in_dim3A_764 = vector.shape_cast %xor3A_763 : vector<16xi32> to vector<16x1xi32>
        %gather3A_765 = vector.shape_cast %broadcast_in_dim3A_764 : vector<16x1xi32> to vector<16xi32>
        %gather3A_766 = tpu.dynamic_gather %add3A_760[%gather3A_765] in [0] : vector<16xf32>, vector<16xi32> -> vector<16xf32>
        %add3A_767 = arith.addf %add3A_760, %gather3A_766 : vector<16xf32>
        %xor3A_768 = arith.constant 4 : i32
        %xor3A_769 = vector.broadcast %xor3A_768 : i32 to vector<16xi32>
        %xor3A_770 = arith.xori %iota3A, %xor3A_769 : vector<16xi32>
        %broadcast_in_dim3A_771 = vector.shape_cast %xor3A_770 : vector<16xi32> to vector<16x1xi32>
        %gather3A_772 = vector.shape_cast %broadcast_in_dim3A_771 : vector<16x1xi32> to vector<16xi32>
        %gather3A_773 = tpu.dynamic_gather %add3A_767[%gather3A_772] in [0] : vector<16xf32>, vector<16xi32> -> vector<16xf32>
        %add3A_774 = arith.addf %add3A_767, %gather3A_773 : vector<16xf32>
        %xor3A_775 = arith.constant 8 : i32
        %xor3A_776 = vector.broadcast %xor3A_775 : i32 to vector<16xi32>
        %xor3A_777 = arith.xori %iota3A, %xor3A_776 : vector<16xi32>
        %broadcast_in_dim3A_778 = vector.shape_cast %xor3A_777 : vector<16xi32> to vector<16x1xi32>
        %gather3A_779 = vector.shape_cast %broadcast_in_dim3A_778 : vector<16x1xi32> to vector<16xi32>
        %gather3A_780 = tpu.dynamic_gather %add3A_774[%gather3A_779] in [0] : vector<16xf32>, vector<16xi32> -> vector<16xf32>
        %add3A_781 = arith.addf %add3A_774, %gather3A_780 : vector<16xf32>
        %eq3A_782 = arith.constant 11 : i32
        %eq3A_783 = vector.broadcast %eq3A_782 : i32 to vector<16xi32>
        %eq3A_784 = arith.cmpi eq, %iota3A, %eq3A_783 : vector<16xi32>
        %select_n3A_785 = arith.select %eq3A_784, %add3A_781, %select_n3A_722 : vector<16xi1>, vector<16xf32>
        %mul3A_786 = arith.constant 16 : i32
        %mul3A_787 = arith.muli %scan3A_33, %mul3A_786 : i32
        %add3A_788 = arith.constant 12 : i32
        %add3A_789 = arith.addi %mul3A_787, %add3A_788 : i32
        %get3A_790 = arith.index_cast %add3A_789 : i32 to index
        %get3A_791 = arith.constant 0 : index
        %get3A_792 = tpu.vector_load %arg10[%get3A_790, %get3A_791] {strides = array<i32>} : memref<400x32xf32, #tpu.memory_space<vmem>>, vector<1x16xf32>,
        %get3A_793 = vector.shape_cast %get3A_792 : vector<1x16xf32> to vector<16xf32>
        %get3A_794 = arith.index_cast %add3A_789 : i32 to index
        %get3A_795 = arith.constant 0 : index
        %get3A_796 = tpu.vector_load %arg11[%get3A_794, %get3A_795] {strides = array<i32>} : memref<400x32xf32, #tpu.memory_space<vmem>>, vector<1x16xf32>,
        %get3A_797 = vector.shape_cast %get3A_796 : vector<1x16xf32> to vector<16xf32>
        %add3A_798 = arith.addf %get3A_793, %get3A_797 : vector<16xf32>
        %max3A_799 = arith.constant 0.000000e+00 : f32
        %max3A_800 = vector.broadcast %max3A_799 : f32 to vector<16xf32>
        %max3A_801 = arith.maximumf %add3A_798, %max3A_800 : vector<16xf32>
        %get3A_802 = arith.index_cast %add3A_789 : i32 to index
        %get3A_803 = arith.constant 16 : index
        %get3A_804 = tpu.vector_load %arg10[%get3A_802, %get3A_803] {strides = array<i32>} : memref<400x32xf32, #tpu.memory_space<vmem>>, vector<1x16xf32>,
        %get3A_805 = vector.shape_cast %get3A_804 : vector<1x16xf32> to vector<16xf32>
        %get3A_806 = arith.index_cast %add3A_789 : i32 to index
        %get3A_807 = arith.constant 16 : index
        %get3A_808 = tpu.vector_load %arg11[%get3A_806, %get3A_807] {strides = array<i32>} : memref<400x32xf32, #tpu.memory_space<vmem>>, vector<1x16xf32>,
        %get3A_809 = vector.shape_cast %get3A_808 : vector<1x16xf32> to vector<16xf32>
        %add3A_810 = arith.addf %get3A_805, %get3A_809 : vector<16xf32>
        %max3A_811 = arith.constant 0.000000e+00 : f32
        %max3A_812 = vector.broadcast %max3A_811 : f32 to vector<16xf32>
        %max3A_813 = arith.maximumf %add3A_810, %max3A_812 : vector<16xf32>
        %mul3A_814 = arith.mulf %max3A_801, %get3A_4 : vector<16xf32>
        %mul3A_815 = arith.mulf %max3A_813, %get3A_7 : vector<16xf32>
        %add3A_816 = arith.addf %mul3A_814, %mul3A_815 : vector<16xf32>
        %xor3A_817 = arith.constant 1 : i32
        %xor3A_818 = vector.broadcast %xor3A_817 : i32 to vector<16xi32>
        %xor3A_819 = arith.xori %iota3A, %xor3A_818 : vector<16xi32>
        %broadcast_in_dim3A_820 = vector.shape_cast %xor3A_819 : vector<16xi32> to vector<16x1xi32>
        %gather3A_821 = vector.shape_cast %broadcast_in_dim3A_820 : vector<16x1xi32> to vector<16xi32>
        %gather3A_822 = tpu.dynamic_gather %add3A_816[%gather3A_821] in [0] : vector<16xf32>, vector<16xi32> -> vector<16xf32>
        %add3A_823 = arith.addf %add3A_816, %gather3A_822 : vector<16xf32>
        %xor3A_824 = arith.constant 2 : i32
        %xor3A_825 = vector.broadcast %xor3A_824 : i32 to vector<16xi32>
        %xor3A_826 = arith.xori %iota3A, %xor3A_825 : vector<16xi32>
        %broadcast_in_dim3A_827 = vector.shape_cast %xor3A_826 : vector<16xi32> to vector<16x1xi32>
        %gather3A_828 = vector.shape_cast %broadcast_in_dim3A_827 : vector<16x1xi32> to vector<16xi32>
        %gather3A_829 = tpu.dynamic_gather %add3A_823[%gather3A_828] in [0] : vector<16xf32>, vector<16xi32> -> vector<16xf32>
        %add3A_830 = arith.addf %add3A_823, %gather3A_829 : vector<16xf32>
        %xor3A_831 = arith.constant 4 : i32
        %xor3A_832 = vector.broadcast %xor3A_831 : i32 to vector<16xi32>
        %xor3A_833 = arith.xori %iota3A, %xor3A_832 : vector<16xi32>
        %broadcast_in_dim3A_834 = vector.shape_cast %xor3A_833 : vector<16xi32> to vector<16x1xi32>
        %gather3A_835 = vector.shape_cast %broadcast_in_dim3A_834 : vector<16x1xi32> to vector<16xi32>
        %gather3A_836 = tpu.dynamic_gather %add3A_830[%gather3A_835] in [0] : vector<16xf32>, vector<16xi32> -> vector<16xf32>
        %add3A_837 = arith.addf %add3A_830, %gather3A_836 : vector<16xf32>
        %xor3A_838 = arith.constant 8 : i32
        %xor3A_839 = vector.broadcast %xor3A_838 : i32 to vector<16xi32>
        %xor3A_840 = arith.xori %iota3A, %xor3A_839 : vector<16xi32>
        %broadcast_in_dim3A_841 = vector.shape_cast %xor3A_840 : vector<16xi32> to vector<16x1xi32>
        %gather3A_842 = vector.shape_cast %broadcast_in_dim3A_841 : vector<16x1xi32> to vector<16xi32>
        %gather3A_843 = tpu.dynamic_gather %add3A_837[%gather3A_842] in [0] : vector<16xf32>, vector<16xi32> -> vector<16xf32>
        %add3A_844 = arith.addf %add3A_837, %gather3A_843 : vector<16xf32>
        %eq3A_845 = arith.constant 12 : i32
        %eq3A_846 = vector.broadcast %eq3A_845 : i32 to vector<16xi32>
        %eq3A_847 = arith.cmpi eq, %iota3A, %eq3A_846 : vector<16xi32>
        %select_n3A_848 = arith.select %eq3A_847, %add3A_844, %select_n3A_785 : vector<16xi1>, vector<16xf32>
        %mul3A_849 = arith.constant 16 : i32
        %mul3A_850 = arith.muli %scan3A_33, %mul3A_849 : i32
        %add3A_851 = arith.constant 13 : i32
        %add3A_852 = arith.addi %mul3A_850, %add3A_851 : i32
        %get3A_853 = arith.index_cast %add3A_852 : i32 to index
        %get3A_854 = arith.constant 0 : index
        %get3A_855 = tpu.vector_load %arg10[%get3A_853, %get3A_854] {strides = array<i32>} : memref<400x32xf32, #tpu.memory_space<vmem>>, vector<1x16xf32>,
        %get3A_856 = vector.shape_cast %get3A_855 : vector<1x16xf32> to vector<16xf32>
        %get3A_857 = arith.index_cast %add3A_852 : i32 to index
        %get3A_858 = arith.constant 0 : index
        %get3A_859 = tpu.vector_load %arg11[%get3A_857, %get3A_858] {strides = array<i32>} : memref<400x32xf32, #tpu.memory_space<vmem>>, vector<1x16xf32>,
        %get3A_860 = vector.shape_cast %get3A_859 : vector<1x16xf32> to vector<16xf32>
        %add3A_861 = arith.addf %get3A_856, %get3A_860 : vector<16xf32>
        %max3A_862 = arith.constant 0.000000e+00 : f32
        %max3A_863 = vector.broadcast %max3A_862 : f32 to vector<16xf32>
        %max3A_864 = arith.maximumf %add3A_861, %max3A_863 : vector<16xf32>
        %get3A_865 = arith.index_cast %add3A_852 : i32 to index
        %get3A_866 = arith.constant 16 : index
        %get3A_867 = tpu.vector_load %arg10[%get3A_865, %get3A_866] {strides = array<i32>} : memref<400x32xf32, #tpu.memory_space<vmem>>, vector<1x16xf32>,
        %get3A_868 = vector.shape_cast %get3A_867 : vector<1x16xf32> to vector<16xf32>
        %get3A_869 = arith.index_cast %add3A_852 : i32 to index
        %get3A_870 = arith.constant 16 : index
        %get3A_871 = tpu.vector_load %arg11[%get3A_869, %get3A_870] {strides = array<i32>} : memref<400x32xf32, #tpu.memory_space<vmem>>, vector<1x16xf32>,
        %get3A_872 = vector.shape_cast %get3A_871 : vector<1x16xf32> to vector<16xf32>
        %add3A_873 = arith.addf %get3A_868, %get3A_872 : vector<16xf32>
        %max3A_874 = arith.constant 0.000000e+00 : f32
        %max3A_875 = vector.broadcast %max3A_874 : f32 to vector<16xf32>
        %max3A_876 = arith.maximumf %add3A_873, %max3A_875 : vector<16xf32>
        %mul3A_877 = arith.mulf %max3A_864, %get3A_4 : vector<16xf32>
        %mul3A_878 = arith.mulf %max3A_876, %get3A_7 : vector<16xf32>
        %add3A_879 = arith.addf %mul3A_877, %mul3A_878 : vector<16xf32>
        %xor3A_880 = arith.constant 1 : i32
        %xor3A_881 = vector.broadcast %xor3A_880 : i32 to vector<16xi32>
        %xor3A_882 = arith.xori %iota3A, %xor3A_881 : vector<16xi32>
        %broadcast_in_dim3A_883 = vector.shape_cast %xor3A_882 : vector<16xi32> to vector<16x1xi32>
        %gather3A_884 = vector.shape_cast %broadcast_in_dim3A_883 : vector<16x1xi32> to vector<16xi32>
        %gather3A_885 = tpu.dynamic_gather %add3A_879[%gather3A_884] in [0] : vector<16xf32>, vector<16xi32> -> vector<16xf32>
        %add3A_886 = arith.addf %add3A_879, %gather3A_885 : vector<16xf32>
        %xor3A_887 = arith.constant 2 : i32
        %xor3A_888 = vector.broadcast %xor3A_887 : i32 to vector<16xi32>
        %xor3A_889 = arith.xori %iota3A, %xor3A_888 : vector<16xi32>
        %broadcast_in_dim3A_890 = vector.shape_cast %xor3A_889 : vector<16xi32> to vector<16x1xi32>
        %gather3A_891 = vector.shape_cast %broadcast_in_dim3A_890 : vector<16x1xi32> to vector<16xi32>
        %gather3A_892 = tpu.dynamic_gather %add3A_886[%gather3A_891] in [0] : vector<16xf32>, vector<16xi32> -> vector<16xf32>
        %add3A_893 = arith.addf %add3A_886, %gather3A_892 : vector<16xf32>
        %xor3A_894 = arith.constant 4 : i32
        %xor3A_895 = vector.broadcast %xor3A_894 : i32 to vector<16xi32>
        %xor3A_896 = arith.xori %iota3A, %xor3A_895 : vector<16xi32>
        %broadcast_in_dim3A_897 = vector.shape_cast %xor3A_896 : vector<16xi32> to vector<16x1xi32>
        %gather3A_898 = vector.shape_cast %broadcast_in_dim3A_897 : vector<16x1xi32> to vector<16xi32>
        %gather3A_899 = tpu.dynamic_gather %add3A_893[%gather3A_898] in [0] : vector<16xf32>, vector<16xi32> -> vector<16xf32>
        %add3A_900 = arith.addf %add3A_893, %gather3A_899 : vector<16xf32>
        %xor3A_901 = arith.constant 8 : i32
        %xor3A_902 = vector.broadcast %xor3A_901 : i32 to vector<16xi32>
        %xor3A_903 = arith.xori %iota3A, %xor3A_902 : vector<16xi32>
        %broadcast_in_dim3A_904 = vector.shape_cast %xor3A_903 : vector<16xi32> to vector<16x1xi32>
        %gather3A_905 = vector.shape_cast %broadcast_in_dim3A_904 : vector<16x1xi32> to vector<16xi32>
        %gather3A_906 = tpu.dynamic_gather %add3A_900[%gather3A_905] in [0] : vector<16xf32>, vector<16xi32> -> vector<16xf32>
        %add3A_907 = arith.addf %add3A_900, %gather3A_906 : vector<16xf32>
        %eq3A_908 = arith.constant 13 : i32
        %eq3A_909 = vector.broadcast %eq3A_908 : i32 to vector<16xi32>
        %eq3A_910 = arith.cmpi eq, %iota3A, %eq3A_909 : vector<16xi32>
        %select_n3A_911 = arith.select %eq3A_910, %add3A_907, %select_n3A_848 : vector<16xi1>, vector<16xf32>
        %mul3A_912 = arith.constant 16 : i32
        %mul3A_913 = arith.muli %scan3A_33, %mul3A_912 : i32
        %add3A_914 = arith.constant 14 : i32
        %add3A_915 = arith.addi %mul3A_913, %add3A_914 : i32
        %get3A_916 = arith.index_cast %add3A_915 : i32 to index
        %get3A_917 = arith.constant 0 : index
        %get3A_918 = tpu.vector_load %arg10[%get3A_916, %get3A_917] {strides = array<i32>} : memref<400x32xf32, #tpu.memory_space<vmem>>, vector<1x16xf32>,
        %get3A_919 = vector.shape_cast %get3A_918 : vector<1x16xf32> to vector<16xf32>
        %get3A_920 = arith.index_cast %add3A_915 : i32 to index
        %get3A_921 = arith.constant 0 : index
        %get3A_922 = tpu.vector_load %arg11[%get3A_920, %get3A_921] {strides = array<i32>} : memref<400x32xf32, #tpu.memory_space<vmem>>, vector<1x16xf32>,
        %get3A_923 = vector.shape_cast %get3A_922 : vector<1x16xf32> to vector<16xf32>
        %add3A_924 = arith.addf %get3A_919, %get3A_923 : vector<16xf32>
        %max3A_925 = arith.constant 0.000000e+00 : f32
        %max3A_926 = vector.broadcast %max3A_925 : f32 to vector<16xf32>
        %max3A_927 = arith.maximumf %add3A_924, %max3A_926 : vector<16xf32>
        %get3A_928 = arith.index_cast %add3A_915 : i32 to index
        %get3A_929 = arith.constant 16 : index
        %get3A_930 = tpu.vector_load %arg10[%get3A_928, %get3A_929] {strides = array<i32>} : memref<400x32xf32, #tpu.memory_space<vmem>>, vector<1x16xf32>,
        %get3A_931 = vector.shape_cast %get3A_930 : vector<1x16xf32> to vector<16xf32>
        %get3A_932 = arith.index_cast %add3A_915 : i32 to index
        %get3A_933 = arith.constant 16 : index
        %get3A_934 = tpu.vector_load %arg11[%get3A_932, %get3A_933] {strides = array<i32>} : memref<400x32xf32, #tpu.memory_space<vmem>>, vector<1x16xf32>,
        %get3A_935 = vector.shape_cast %get3A_934 : vector<1x16xf32> to vector<16xf32>
        %add3A_936 = arith.addf %get3A_931, %get3A_935 : vector<16xf32>
        %max3A_937 = arith.constant 0.000000e+00 : f32
        %max3A_938 = vector.broadcast %max3A_937 : f32 to vector<16xf32>
        %max3A_939 = arith.maximumf %add3A_936, %max3A_938 : vector<16xf32>
        %mul3A_940 = arith.mulf %max3A_927, %get3A_4 : vector<16xf32>
        %mul3A_941 = arith.mulf %max3A_939, %get3A_7 : vector<16xf32>
        %add3A_942 = arith.addf %mul3A_940, %mul3A_941 : vector<16xf32>
        %xor3A_943 = arith.constant 1 : i32
        %xor3A_944 = vector.broadcast %xor3A_943 : i32 to vector<16xi32>
        %xor3A_945 = arith.xori %iota3A, %xor3A_944 : vector<16xi32>
        %broadcast_in_dim3A_946 = vector.shape_cast %xor3A_945 : vector<16xi32> to vector<16x1xi32>
        %gather3A_947 = vector.shape_cast %broadcast_in_dim3A_946 : vector<16x1xi32> to vector<16xi32>
        %gather3A_948 = tpu.dynamic_gather %add3A_942[%gather3A_947] in [0] : vector<16xf32>, vector<16xi32> -> vector<16xf32>
        %add3A_949 = arith.addf %add3A_942, %gather3A_948 : vector<16xf32>
        %xor3A_950 = arith.constant 2 : i32
        %xor3A_951 = vector.broadcast %xor3A_950 : i32 to vector<16xi32>
        %xor3A_952 = arith.xori %iota3A, %xor3A_951 : vector<16xi32>
        %broadcast_in_dim3A_953 = vector.shape_cast %xor3A_952 : vector<16xi32> to vector<16x1xi32>
        %gather3A_954 = vector.shape_cast %broadcast_in_dim3A_953 : vector<16x1xi32> to vector<16xi32>
        %gather3A_955 = tpu.dynamic_gather %add3A_949[%gather3A_954] in [0] : vector<16xf32>, vector<16xi32> -> vector<16xf32>
        %add3A_956 = arith.addf %add3A_949, %gather3A_955 : vector<16xf32>
        %xor3A_957 = arith.constant 4 : i32
        %xor3A_958 = vector.broadcast %xor3A_957 : i32 to vector<16xi32>
        %xor3A_959 = arith.xori %iota3A, %xor3A_958 : vector<16xi32>
        %broadcast_in_dim3A_960 = vector.shape_cast %xor3A_959 : vector<16xi32> to vector<16x1xi32>
        %gather3A_961 = vector.shape_cast %broadcast_in_dim3A_960 : vector<16x1xi32> to vector<16xi32>
        %gather3A_962 = tpu.dynamic_gather %add3A_956[%gather3A_961] in [0] : vector<16xf32>, vector<16xi32> -> vector<16xf32>
        %add3A_963 = arith.addf %add3A_956, %gather3A_962 : vector<16xf32>
        %xor3A_964 = arith.constant 8 : i32
        %xor3A_965 = vector.broadcast %xor3A_964 : i32 to vector<16xi32>
        %xor3A_966 = arith.xori %iota3A, %xor3A_965 : vector<16xi32>
        %broadcast_in_dim3A_967 = vector.shape_cast %xor3A_966 : vector<16xi32> to vector<16x1xi32>
        %gather3A_968 = vector.shape_cast %broadcast_in_dim3A_967 : vector<16x1xi32> to vector<16xi32>
        %gather3A_969 = tpu.dynamic_gather %add3A_963[%gather3A_968] in [0] : vector<16xf32>, vector<16xi32> -> vector<16xf32>
        %add3A_970 = arith.addf %add3A_963, %gather3A_969 : vector<16xf32>
        %eq3A_971 = arith.constant 14 : i32
        %eq3A_972 = vector.broadcast %eq3A_971 : i32 to vector<16xi32>
        %eq3A_973 = arith.cmpi eq, %iota3A, %eq3A_972 : vector<16xi32>
        %select_n3A_974 = arith.select %eq3A_973, %add3A_970, %select_n3A_911 : vector<16xi1>, vector<16xf32>
        %mul3A_975 = arith.constant 16 : i32
        %mul3A_976 = arith.muli %scan3A_33, %mul3A_975 : i32
        %add3A_977 = arith.constant 15 : i32
        %add3A_978 = arith.addi %mul3A_976, %add3A_977 : i32
        %get3A_979 = arith.index_cast %add3A_978 : i32 to index
        %get3A_980 = arith.constant 0 : index
        %get3A_981 = tpu.vector_load %arg10[%get3A_979, %get3A_980] {strides = array<i32>} : memref<400x32xf32, #tpu.memory_space<vmem>>, vector<1x16xf32>,
        %get3A_982 = vector.shape_cast %get3A_981 : vector<1x16xf32> to vector<16xf32>
        %get3A_983 = arith.index_cast %add3A_978 : i32 to index
        %get3A_984 = arith.constant 0 : index
        %get3A_985 = tpu.vector_load %arg11[%get3A_983, %get3A_984] {strides = array<i32>} : memref<400x32xf32, #tpu.memory_space<vmem>>, vector<1x16xf32>,
        %get3A_986 = vector.shape_cast %get3A_985 : vector<1x16xf32> to vector<16xf32>
        %add3A_987 = arith.addf %get3A_982, %get3A_986 : vector<16xf32>
        %max3A_988 = arith.constant 0.000000e+00 : f32
        %max3A_989 = vector.broadcast %max3A_988 : f32 to vector<16xf32>
        %max3A_990 = arith.maximumf %add3A_987, %max3A_989 : vector<16xf32>
        %get3A_991 = arith.index_cast %add3A_978 : i32 to index
        %get3A_992 = arith.constant 16 : index
        %get3A_993 = tpu.vector_load %arg10[%get3A_991, %get3A_992] {strides = array<i32>} : memref<400x32xf32, #tpu.memory_space<vmem>>, vector<1x16xf32>,
        %get3A_994 = vector.shape_cast %get3A_993 : vector<1x16xf32> to vector<16xf32>
        %get3A_995 = arith.index_cast %add3A_978 : i32 to index
        %get3A_996 = arith.constant 16 : index
        %get3A_997 = tpu.vector_load %arg11[%get3A_995, %get3A_996] {strides = array<i32>} : memref<400x32xf32, #tpu.memory_space<vmem>>, vector<1x16xf32>,
        %get3A_998 = vector.shape_cast %get3A_997 : vector<1x16xf32> to vector<16xf32>
        %add3A_999 = arith.addf %get3A_994, %get3A_998 : vector<16xf32>
        %max3A_1000 = arith.constant 0.000000e+00 : f32
        %max3A_1001 = vector.broadcast %max3A_1000 : f32 to vector<16xf32>
        %max3A_1002 = arith.maximumf %add3A_999, %max3A_1001 : vector<16xf32>
        %mul3A_1003 = arith.mulf %max3A_990, %get3A_4 : vector<16xf32>
        %mul3A_1004 = arith.mulf %max3A_1002, %get3A_7 : vector<16xf32>
        %add3A_1005 = arith.addf %mul3A_1003, %mul3A_1004 : vector<16xf32>
        %xor3A_1006 = arith.constant 1 : i32
        %xor3A_1007 = vector.broadcast %xor3A_1006 : i32 to vector<16xi32>
        %xor3A_1008 = arith.xori %iota3A, %xor3A_1007 : vector<16xi32>
        %broadcast_in_dim3A_1009 = vector.shape_cast %xor3A_1008 : vector<16xi32> to vector<16x1xi32>
        %gather3A_1010 = vector.shape_cast %broadcast_in_dim3A_1009 : vector<16x1xi32> to vector<16xi32>
        %gather3A_1011 = tpu.dynamic_gather %add3A_1005[%gather3A_1010] in [0] : vector<16xf32>, vector<16xi32> -> vector<16xf32>
        %add3A_1012 = arith.addf %add3A_1005, %gather3A_1011 : vector<16xf32>
        %xor3A_1013 = arith.constant 2 : i32
        %xor3A_1014 = vector.broadcast %xor3A_1013 : i32 to vector<16xi32>
        %xor3A_1015 = arith.xori %iota3A, %xor3A_1014 : vector<16xi32>
        %broadcast_in_dim3A_1016 = vector.shape_cast %xor3A_1015 : vector<16xi32> to vector<16x1xi32>
        %gather3A_1017 = vector.shape_cast %broadcast_in_dim3A_1016 : vector<16x1xi32> to vector<16xi32>
        %gather3A_1018 = tpu.dynamic_gather %add3A_1012[%gather3A_1017] in [0] : vector<16xf32>, vector<16xi32> -> vector<16xf32>
        %add3A_1019 = arith.addf %add3A_1012, %gather3A_1018 : vector<16xf32>
        %xor3A_1020 = arith.constant 4 : i32
        %xor3A_1021 = vector.broadcast %xor3A_1020 : i32 to vector<16xi32>
        %xor3A_1022 = arith.xori %iota3A, %xor3A_1021 : vector<16xi32>
        %broadcast_in_dim3A_1023 = vector.shape_cast %xor3A_1022 : vector<16xi32> to vector<16x1xi32>
        %gather3A_1024 = vector.shape_cast %broadcast_in_dim3A_1023 : vector<16x1xi32> to vector<16xi32>
        %gather3A_1025 = tpu.dynamic_gather %add3A_1019[%gather3A_1024] in [0] : vector<16xf32>, vector<16xi32> -> vector<16xf32>
        %add3A_1026 = arith.addf %add3A_1019, %gather3A_1025 : vector<16xf32>
        %xor3A_1027 = arith.constant 8 : i32
        %xor3A_1028 = vector.broadcast %xor3A_1027 : i32 to vector<16xi32>
        %xor3A_1029 = arith.xori %iota3A, %xor3A_1028 : vector<16xi32>
        %broadcast_in_dim3A_1030 = vector.shape_cast %xor3A_1029 : vector<16xi32> to vector<16x1xi32>
        %gather3A_1031 = vector.shape_cast %broadcast_in_dim3A_1030 : vector<16x1xi32> to vector<16xi32>
        %gather3A_1032 = tpu.dynamic_gather %add3A_1026[%gather3A_1031] in [0] : vector<16xf32>, vector<16xi32> -> vector<16xf32>
        %add3A_1033 = arith.addf %add3A_1026, %gather3A_1032 : vector<16xf32>
        %eq3A_1034 = arith.constant 15 : i32
        %eq3A_1035 = vector.broadcast %eq3A_1034 : i32 to vector<16xi32>
        %eq3A_1036 = arith.cmpi eq, %iota3A, %eq3A_1035 : vector<16xi32>
        %select_n3A_1037 = arith.select %eq3A_1036, %add3A_1033, %select_n3A_974 : vector<16xi1>, vector<16xf32>
        %mul3A_1038 = arith.constant 16 : i32
        %mul3A_1039 = arith.muli %scan3A_33, %mul3A_1038 : i32
        %swap3A = arith.index_cast %mul3A_1039 : i32 to index
        %swap3A_1040 = tpu.vector_load %arg13[%swap3A] {strides = array<i32>} : memref<400xf32, #tpu.memory_space<vmem>>, vector<16xf32>,
        %swap3A_1041 = vector.shape_cast %swap3A_1040 : vector<16xf32> to vector<16xf32>
        %swap3A_1042 = vector.shape_cast %select_n3A_1037 : vector<16xf32> to vector<16xf32>
        tpu.vector_store %arg13[%swap3A], %swap3A_1042 {strides = array<i32>} : memref<400xf32, #tpu.memory_space<vmem>>, vector<16xf32>,
      }
      %scan3A_32 = arith.constant 25 : i32
      "tpu.region"() ({
        %run_scoped3A = tpu.sem_alloc : memref<!tpu.dma_semaphore, #tpu.memory_space<semaphore_mem>>
        %dma_start3A_33 = tpu.memref_slice %arg7[%add3A_16] : memref<1600000xf32, #tpu.memory_space<hbm>> -> memref<400xf32, #tpu.memory_space<hbm>>
        %dma_start3A_34 = tpu.memref_slice %arg7[%add3A_16] : memref<1600000xf32, #tpu.memory_space<hbm>> -> memref<400xf32, #tpu.memory_space<hbm>>
        tpu.enqueue_dma source(%arg13 : memref<400xf32, #tpu.memory_space<vmem>>) target(%dma_start3A_34 : memref<400xf32, #tpu.memory_space<hbm>>) target_semaphore(%run_scoped3A : memref<!tpu.dma_semaphore, #tpu.memory_space<semaphore_mem>>)
        %dma_wait3A_35 = tpu.memref_slice %arg7[%add3A_16] : memref<1600000xf32, #tpu.memory_space<hbm>> -> memref<400xf32, #tpu.memory_space<hbm>>
        %dma_wait3A_36 = tpu.memref_slice %arg7[%add3A_16] : memref<1600000xf32, #tpu.memory_space<hbm>> -> memref<400xf32, #tpu.memory_space<hbm>>
        tpu.wait_dma2 semaphore(%run_scoped3A : memref<!tpu.dma_semaphore, #tpu.memory_space<semaphore_mem>>) src(%arg13 : memref<400xf32, #tpu.memory_space<vmem>>) dst(%dma_wait3A_36 : memref<400xf32, #tpu.memory_space<hbm>>)
        tpu.yield
      }) : () -> ()
    }
    %scan3A_12 = arith.constant 125 : i32
    return
  }
}

module attributes {stable_mosaic.version = 14 : i64} {
  func.func @_tables_body(%arg0: i32, %arg1: memref<2000x30xf32, #tpu.memory_space<vmem>>, %arg2: memref<60x32xf32, #tpu.memory_space<vmem>>, %arg3: memref<1x32xf32, #tpu.memory_space<vmem>>, %arg4: memref<2000x32xf32, #tpu.memory_space<vmem>>, %arg5: memref<2000x32xf32, #tpu.memory_space<vmem>>) attributes {dimension_semantics = [#tpu.dimension_semantics<arbitrary>], iteration_bounds = array<i64: 50>, scalar_prefetch = 0 : i64, scratch_operands = 0 : i64, tpu.core_type = #tpu.core_type<tc>, window_params = [{transform_indices = @transform_0, window_bounds = array<i64: 2000, 30>}, {pipeline_mode = #tpu.pipeline_mode<synchronous>, transform_indices = @transform_1, window_bounds = array<i64: 60, 32>}, {pipeline_mode = #tpu.pipeline_mode<synchronous>, transform_indices = @transform_2, window_bounds = array<i64: 1, 32>}, {transform_indices = @transform_3, window_bounds = array<i64: 2000, 32>}, {transform_indices = @transform_4, window_bounds = array<i64: 2000, 32>}]} {
    %get3A = arith.constant 0 : index
    %get3A_0 = arith.constant 0 : index
    %get3A_1 = vector.load %arg1[%get3A, %get3A_0] : memref<2000x30xf32, #tpu.memory_space<vmem>>, vector<2000x30xf32>
    %get3A_2 = arith.constant 0 : index
    %get3A_3 = arith.constant 0 : index
    %get3A_4 = vector.load %arg2[%get3A_2, %get3A_3] : memref<60x32xf32, #tpu.memory_space<vmem>>, vector<30x32xf32>
    %get3A_5 = arith.constant 30 : index
    %get3A_6 = arith.constant 0 : index
    %get3A_7 = vector.load %arg2[%get3A_5, %get3A_6] : memref<60x32xf32, #tpu.memory_space<vmem>>, vector<30x32xf32>
    %dot_general3A = arith.constant dense<0.000000e+00> : vector<2000x32xf32>
    %dot_general3A_8 = tpu.matmul %get3A_1, %get3A_4, %dot_general3A {dimension_numbers = #tpu.dot_dimension_numbers<[1], [0], [0], [1], [0, 0, 1, 1], [], []>, transpose_lhs_hint = false} : vector<2000x30xf32>, vector<30x32xf32>, vector<2000x32xf32> -> vector<2000x32xf32>
    %get3A_9 = arith.constant 0 : index
    %get3A_10 = arith.constant 0 : index
    %get3A_11 = vector.load %arg3[%get3A_9, %get3A_10] : memref<1x32xf32, #tpu.memory_space<vmem>>, vector<1x32xf32>
    %add3A = vector.broadcast %get3A_11 : vector<1x32xf32> to vector<2000x32xf32>
    %add3A_12 = arith.addf %dot_general3A_8, %add3A : vector<2000x32xf32>
    %swap3A = arith.constant 0 : index
    %swap3A_13 = arith.constant 0 : index
    %swap3A_14 = vector.load %arg4[%swap3A, %swap3A_13] : memref<2000x32xf32, #tpu.memory_space<vmem>>, vector<2000x32xf32>
    tpu.vector_store %arg4[%swap3A, %swap3A_13], %add3A_12 {strides = array<i32>} : memref<2000x32xf32, #tpu.memory_space<vmem>>, vector<2000x32xf32>,
    %dot_general3A_15 = arith.constant dense<0.000000e+00> : vector<2000x32xf32>
    %dot_general3A_16 = tpu.matmul %get3A_1, %get3A_7, %dot_general3A_15 {dimension_numbers = #tpu.dot_dimension_numbers<[1], [0], [0], [1], [0, 0, 1, 1], [], []>, transpose_lhs_hint = false} : vector<2000x30xf32>, vector<30x32xf32>, vector<2000x32xf32> -> vector<2000x32xf32>
    %swap3A_17 = arith.constant 0 : index
    %swap3A_18 = arith.constant 0 : index
    %swap3A_19 = vector.load %arg5[%swap3A_17, %swap3A_18] : memref<2000x32xf32, #tpu.memory_space<vmem>>, vector<2000x32xf32>
    tpu.vector_store %arg5[%swap3A_17, %swap3A_18], %dot_general3A_16 {strides = array<i32>} : memref<2000x32xf32, #tpu.memory_space<vmem>>, vector<2000x32xf32>,
    return
  }
  func.func @transform_0(%arg0: i32) -> (i32, i32) {
    %c0_i32 = arith.constant 0 : i32
    %c0_i32_0 = arith.constant 0 : i32
    return %arg0, %c0_i32 : i32, i32
  }
  func.func @transform_1(%arg0: i32) -> (i32, i32) {
    %c0_i32 = arith.constant 0 : i32
    %c0_i32_0 = arith.constant 0 : i32
    %c0_i32_1 = arith.constant 0 : i32
    return %c0_i32, %c0_i32_0 : i32, i32
  }
  func.func @transform_2(%arg0: i32) -> (i32, i32) {
    %c0_i32 = arith.constant 0 : i32
    %c0_i32_0 = arith.constant 0 : i32
    %c0_i32_1 = arith.constant 0 : i32
    return %c0_i32, %c0_i32_0 : i32, i32
  }
  func.func @transform_3(%arg0: i32) -> (i32, i32) {
    %c0_i32 = arith.constant 0 : i32
    %c0_i32_0 = arith.constant 0 : i32
    return %arg0, %c0_i32 : i32, i32
  }
  func.func @transform_4(%arg0: i32) -> (i32, i32) {
    %c0_i32 = arith.constant 0 : i32
    %c0_i32_0 = arith.constant 0 : i32
    return %arg0, %c0_i32 : i32, i32
  }
}

module attributes {stable_mosaic.version = 14 : i64} {
  func.func @_loss_body(%arg0: i32, %arg1: memref<1250x128xf32, #tpu.memory_space<vmem>>, %arg2: memref<1250x128xi32, #tpu.memory_space<vmem>>, %arg3: memref<1x1xf32, #tpu.memory_space<smem>>, %arg4: memref<1x1xf32, #tpu.memory_space<smem>>) attributes {dimension_semantics = [#tpu.dimension_semantics<arbitrary>], iteration_bounds = array<i64: 10>, scalar_prefetch = 0 : i64, scratch_operands = 0 : i64, tpu.core_type = #tpu.core_type<tc>, window_params = [{transform_indices = @transform_0, window_bounds = array<i64: 1250, 128>}, {transform_indices = @transform_1, window_bounds = array<i64: 1250, 128>}, {transform_indices = @transform_2, window_bounds = array<i64: 1, 1>}, {transform_indices = @transform_3, window_bounds = array<i64: 1, 1>}]} {
    %get3A = arith.constant 0 : index
    %get3A_0 = arith.constant 0 : index
    %get3A_1 = memref.load %arg3[%get3A, %get3A_0] : memref<1x1xf32, #tpu.memory_space<smem>>
    %get3A_2 = arith.constant 0 : index
    %get3A_3 = arith.constant 0 : index
    %get3A_4 = vector.load %arg2[%get3A_2, %get3A_3] : memref<1250x128xi32, #tpu.memory_space<vmem>>, vector<1250x128xi32>
    %convert_element_type3A = arith.sitofp %get3A_4 : vector<1250x128xi32> to vector<1250x128xf32>
    %mul3A = arith.constant 2.000000e+00 : f32
    %mul3A_5 = vector.broadcast %mul3A : f32 to vector<1250x128xf32>
    %mul3A_6 = arith.mulf %mul3A_5, %convert_element_type3A : vector<1250x128xf32>
    %sub3A = arith.constant 1.000000e+00 : f32
    %sub3A_7 = vector.broadcast %sub3A : f32 to vector<1250x128xf32>
    %sub3A_8 = arith.subf %mul3A_6, %sub3A_7 : vector<1250x128xf32>
    %get3A_9 = arith.constant 0 : index
    %get3A_10 = arith.constant 0 : index
    %get3A_11 = vector.load %arg1[%get3A_9, %get3A_10] : memref<1250x128xf32, #tpu.memory_space<vmem>>, vector<1250x128xf32>
    %add3A = vector.broadcast %get3A_1 : f32 to vector<1250x128xf32>
    %add3A_12 = arith.addf %get3A_11, %add3A : vector<1250x128xf32>
    %mul3A_13 = arith.mulf %sub3A_8, %add3A_12 : vector<1250x128xf32>
    %max3A = arith.constant 0.000000e+00 : f32
    %max3A_14 = vector.broadcast %max3A : f32 to vector<1250x128xf32>
    %max3A_15 = arith.maximumf %mul3A_13, %max3A_14 : vector<1250x128xf32>
    %abs3A = math.absf %mul3A_13 : vector<1250x128xf32>
    %neg3A = arith.constant 0.000000e+00 : f32
    %neg3A_16 = vector.broadcast %neg3A : f32 to vector<1250x128xf32>
    %neg3A_17 = arith.subf %neg3A_16, %abs3A : vector<1250x128xf32>
    %exp3A = math.exp %neg3A_17 : vector<1250x128xf32>
    %log1p3A = math.log1p %exp3A : vector<1250x128xf32>
    %add3A_18 = arith.addf %max3A_15, %log1p3A : vector<1250x128xf32>
    %reduce_sum3A = vector.shape_cast %add3A_18 : vector<1250x128xf32> to vector<1x1250x128xf32>
    %reduce_sum3A_19 = arith.constant dense<0.000000e+00> : vector<1xf32>
    %reduce_sum3A_20 = vector.multi_reduction <add>, %reduce_sum3A, %reduce_sum3A_19 [1, 2] : vector<1x1250x128xf32> to vector<1xf32>
    %reduce_sum3A_21 = vector.shape_cast %reduce_sum3A_20 : vector<1xf32> to vector<1x1x1xf32>
    %reduce_sum3A_22 = vector.extract %reduce_sum3A_21[0, 0, 0] : f32 from vector<1x1x1xf32>
    %eq3A = arith.constant 0 : i32
    %eq3A_23 = arith.cmpi eq, %arg0, %eq3A : i32
    %convert_element_type3A_24 = arith.extui %eq3A_23 : i1 to i32
    %cond3A = arith.constant 0 : i32
    %cond3A_25 = arith.cmpi ne, %convert_element_type3A_24, %cond3A : i32
    scf.if %cond3A_25 {
      %swap3A_32 = arith.constant 0.000000e+00 : f32
      %swap3A_33 = arith.constant 0 : index
      %swap3A_34 = arith.constant 0 : index
      %swap3A_35 = memref.load %arg4[%swap3A_33, %swap3A_34] : memref<1x1xf32, #tpu.memory_space<smem>>
      memref.store %swap3A_32, %arg4[%swap3A_33, %swap3A_34] : memref<1x1xf32, #tpu.memory_space<smem>>
    } else {
    }
    %get3A_26 = arith.constant 0 : index
    %get3A_27 = arith.constant 0 : index
    %get3A_28 = memref.load %arg4[%get3A_26, %get3A_27] : memref<1x1xf32, #tpu.memory_space<smem>>
    %add3A_29 = arith.addf %get3A_28, %reduce_sum3A_22 : f32
    %swap3A = arith.constant 0 : index
    %swap3A_30 = arith.constant 0 : index
    %swap3A_31 = memref.load %arg4[%swap3A, %swap3A_30] : memref<1x1xf32, #tpu.memory_space<smem>>
    memref.store %add3A_29, %arg4[%swap3A, %swap3A_30] : memref<1x1xf32, #tpu.memory_space<smem>>
    return
  }
  func.func @transform_0(%arg0: i32) -> (i32, i32) {
    %c0_i32 = arith.constant 0 : i32
    %c0_i32_0 = arith.constant 0 : i32
    return %c0_i32, %arg0 : i32, i32
  }
  func.func @transform_1(%arg0: i32) -> (i32, i32) {
    %c0_i32 = arith.constant 0 : i32
    %c0_i32_0 = arith.constant 0 : i32
    return %c0_i32, %arg0 : i32, i32
  }
  func.func @transform_2(%arg0: i32) -> (i32, i32) {
    %c0_i32 = arith.constant 0 : i32
    %c0_i32_0 = arith.constant 0 : i32
    %c0_i32_1 = arith.constant 0 : i32
    return %c0_i32, %c0_i32_0 : i32, i32
  }
  func.func @transform_3(%arg0: i32) -> (i32, i32) {
    %c0_i32 = arith.constant 0 : i32
    %c0_i32_0 = arith.constant 0 : i32
    %c0_i32_1 = arith.constant 0 : i32
    return %c0_i32, %c0_i32_0 : i32, i32
  }
}

</mosaic_0001>

<sc_bundles>
// kernel: kernel.5.cloned.1.call-start
scs
__scs_entry_jumppad:
0x0: {  	(pc) =	sbr.rel $0x88, $3  }
0x1: {  	(tag) =	ssettag $0x0;
	lr =	simm.s32 $0x1  }
0x2: {  	[smem:$0x3F9A] =	sst lr;
	_ =	strace $0xD0000000  }
0x3: {  	_ = 	snop  }
0x4: {  	_ = 	snop  }
0x5: {  	_ = 	snop  }
0x6: {  	_ = 	snop  }
0x7: {  	_ = 	snop  }
__scs_overlays_trampoline_lowered:
0x8: {  	[smem:$0x3FA9] =	sst s0  }
0x9: {  	[smem:$0x3FAA] =	sst s1  }
0xa: {  	[smem:$0x3FAB] =	sst s2  }
0xb: {  	[smem:$0x3FAC] =	sst s3  }
0xc: {  	[smem:$0x3FAD] =	sst s4  }
0xd: {  	[smem:$0x3FAE] =	sst s5  }
0xe: {  	[smem:$0x3FAF] =	sst s6  }
0xf: {  	[smem:$0x3FB0] =	sst s7  }
0x10: {  	[smem:$0x3FB1] =	sst s8  }
0x11: {  	[smem:$0x3FB2] =	sst s9;
	s0 =	simm.s32 @!p0 $0x0  }
0x12: {  	s1 =	sld [smem:$0x3F98];
	s0 =	simm.s32 @p0 $0x1  }
0x13: {  	[smem:$0x3FB3] =	sst s0;
	s0 =	simm.s32 @!p1 $0x0  }
0x14: {  	s2 =	sld [smem:$0x3F97];
	s0 =	simm.s32 @p1 $0x1  }
0x15: {  	[smem:$0x3FB4] =	sst s0;
	s0 =	simm.s32 @!p2 $0x0  }
0x16: {  	s3 =	sld [smem:$0x3FDB];
	s0 =	simm.s32 @p2 $0x1  }
0x17: {  	s4 =	simm.s32 $0x1BF5;
	[smem:$0x3FB6] =	sst s0  }
0x18: {  	s0 =	sld [smem:$0x3F99];
	_ =	swait.ge [sflag:s4], $0x0  }
0x19: {  	s7 =	sld [smem:$0x3F9A]  }
0x1a: {  	s8 =	sadd.s32 $0xFFFFE003, lr  }
0x1b: {  	s9 =	sadd.s32 $0xFFFFFEF7, lr;
	s5 =	simm.s32 $0xFFFFFFFF;
	p2 =	slt.u32 s8, $0xFFFFF086  }
0x1c: {  	p1 =	slt.u32 s9, $0xF7A;
	s5 =	simm.s32 @!p2 $0x0  }
0x1d: {  	s5 =	simm.s32 @p1 $0x1;
	p0 =	seq.s32 s7, s2  }
0x1e: {  	s7 =	smul.u32 @!p0 $0xF7A, s2;
	p2 =	seq.s32 @!p0 s5, $0x0  }
0x1f: {  	s9 =	smul.u32 $0xF7A, s1;
	s8 =	simm.s32 @!p0 $0x1BF5;
	p2 =	por !p2, p0  }
0x20: {  	[sflag:s8] =	ssyncset.s32 @!p0 $0xFFFFF086;
	s6 =	sadd.s32 @!p0 s3, s7;
	s7 =	simm.s32 @!p0 $0x108  }
0x21: {  	s3 =	sadd.s32 s3, s9;
	s6 =	sadd.s32 @!p0 $0x88, s6;
	s7 =	simm.s32 @p2 $0x1082  }
0x22: {  	[simem:s7], [sflag:s8] =	dma.local @!p0 [hbm:s6], $0xF7A  }
0x23: {  	s9 =	sor.u32 $0xD0000000, s2;
	s6 =	simm.s32 $0x108;
	_ =	swait.ge @!p0 [sflag:s8], $0x0  }
0x24: {  	s3 =	sadd.s32 $0x88, s3;
	s6 =	simm.s32 @!p1 $0x1082;
	[sflag:s4] =	ssyncset.s32 $0xFFFFF086  }
0x25: {  	[simem:s6], [sflag:s4] =	dma.local [hbm:s3], $0xF7A  }
0x26: {  	[smem:$0x3F9A] =	sst s1;
	(tag) =	ssettag s2;
	_ =	strace s9  }
0x27: {  	s1 =	sld [smem:$0x3FAA]  }
0x28: {  	s2 =	sld [smem:$0x3FAB]  }
0x29: {  	s4 =	sld [smem:$0x3FAD]  }
0x2a: {  	p0 =	seq.s32 s5, $0x0;
	s5 =	sld [smem:$0x3FAE]  }
0x2b: {  	s6 =	sld [smem:$0x3FAF]  }
0x2c: {  	s7 =	sld [smem:$0x3FB0]  }
0x2d: {  	s3 =	simm.s32 $0x108;
	s8 =	sld [smem:$0x3FB1]  }
0x2e: {  	s3 =	simm.s32 @!p0 $0x1082;
	s9 =	sld [smem:$0x3FB2]  }
0x2f: {  	lr =	sadd.s32 s0, s3;
	s0 =	sld [smem:$0x3FA9]  }
0x30: {  	s3 =	sld [smem:$0x3FAC]  }
0x31: {  	[smem:$0x3FB5] =	sst s10  }
0x32: {  	s10 =	sld [smem:$0x3FB3];
	_ =	sdelay $0x3  }
0x33: {  	p0 =	seq.s32 s10, $0x1;
	s10 =	sld [smem:$0x3FB5];
	_ =	sdelay $0x3  }
0x34: {  	[smem:$0x3FB5] =	sst s10  }
0x35: {  	s10 =	sld [smem:$0x3FB4];
	_ =	sdelay $0x3  }
0x36: {  	p1 =	seq.s32 s10, $0x1;
	s10 =	sld [smem:$0x3FB5];
	_ =	sdelay $0x3  }
0x37: {  	[smem:$0x3FB5] =	sst s10  }
0x38: {  	s10 =	sld [smem:$0x3FB6]  }
0x39: {  	_ = 	snop;
	(pc) =	sbr.ind lr, $3  }
0x3a: {  	_ = 	snop  }
0x3b: {  	_ = 	snop  }
0x3c: {  	p2 =	seq.s32 s10, $0x1;
	s10 =	sld [smem:$0x3FB5]  }
0x3d: {  	_ =	shalt  }
0x3e: {  	_ =	shalt  }
0x3f: {  	_ =	shalt  }
0x40: {  	_ =	shalt  }
0x41: {  	_ =	shalt  }
0x42: {  	_ =	shalt  }
0x43: {  	_ =	shalt  }
0x44: {  	_ =	shalt  }
0x45: {  	_ =	shalt  }
0x46: {  	_ =	shalt  }
0x47: {  	_ =	shalt  }
0x48: {  	_ =	shalt  }
0x49: {  	_ =	shalt  }
0x4a: {  	_ =	shalt  }
0x4b: {  	_ =	shalt  }
0x4c: {  	_ =	shalt  }
0x4d: {  	_ =	shalt  }
0x4e: {  	_ =	shalt  }
0x4f: {  	_ =	shalt  }
0x50: {  	_ =	shalt  }
0x51: {  	_ =	shalt  }
0x52: {  	_ =	shalt  }
0x53: {  	_ =	shalt  }
0x54: {  	_ =	shalt  }
0x55: {  	_ =	shalt  }
0x56: {  	_ =	shalt  }
0x57: {  	_ =	shalt  }
0x58: {  	_ =	shalt  }
0x59: {  	_ =	shalt  }
0x5a: {  	_ =	shalt  }
0x5b: {  	_ =	shalt  }
0x5c: {  	_ =	shalt  }
0x5d: {  	_ =	shalt  }
0x5e: {  	_ =	shalt  }
0x5f: {  	_ =	shalt  }
0x60: {  	_ =	shalt  }
0x61: {  	_ =	shalt  }
0x62: {  	_ =	shalt  }
0x63: {  	_ =	shalt  }
0x64: {  	_ =	shalt  }
0x65: {  	_ =	shalt  }
0x66: {  	_ =	shalt  }
0x67: {  	_ =	shalt  }
0x68: {  	_ =	shalt  }
0x69: {  	_ =	shalt  }
0x6a: {  	_ =	shalt  }
0x6b: {  	_ =	shalt  }
0x6c: {  	_ =	shalt  }
0x6d: {  	_ =	shalt  }
0x6e: {  	_ =	shalt  }
0x6f: {  	_ =	shalt  }
0x70: {  	_ =	shalt  }
0x71: {  	_ =	shalt  }
0x72: {  	_ =	shalt  }
0x73: {  	_ =	shalt  }
0x74: {  	_ =	shalt  }
0x75: {  	_ =	shalt  }
0x76: {  	_ =	shalt  }
0x77: {  	_ =	shalt  }
0x78: {  	_ =	shalt  }
0x79: {  	_ =	shalt  }
0x7a: {  	_ =	shalt  }
0x7b: {  	_ =	shalt  }
0x7c: {  	_ =	shalt  }
0x7d: {  	_ =	shalt  }
0x7e: {  	_ =	shalt  }
0x7f: {  	_ =	shalt  }
0x80: {  	_ =	shalt  }
0x81: {  	_ =	shalt  }
0x82: {  	_ =	shalt  }
0x83: {  	_ =	shalt  }
0x84: {  	_ =	shalt  }
0x85: {  	_ =	shalt  }
0x86: {  	_ =	shalt  }
0x87: {  	_ =	shalt  }
.Lfunc_end0:
.L_simem_size_0:
called_computation_lowered:
.L_overlay_start_0:
0x88: {  	s2 =	sld [smem:$0x3FD9]  }
0x89: {  	s3 =	sld [smem:$0x3FFE];
	_ =	sdelay $0x1  }
0x8a: {  	s1 =	srdreg.scid  }
0x8b: {  	s0 =	sand.u32 $0x1, s1  }
0x8c: {  	s17 =	sshll.u32 s0, $0xA;
	s2 =	sadd.s32 s3, s2  }
0x8d: {  	s2 =	sadd.s32 s2, s17  }
0x8e: {  	[smem:$0x3FC1] =	sst s2  }
0x8f: {  	_ = 	snop  }
0x90: {  	s2 =	sld [smem:$0x3FD0];
	(tm) =	ssettm $0x1  }
0x91: {  	s18 =	sld [smem:$0x3FFB];
	_ =	sdelay $0x3  }
0x92: {  	_ =	strace s18  }
0x93: {  	s3 =	sld [smem:$0x3FFC];
	_ =	sdelay $0x3  }
0x94: {  	_ =	strace s3  }
0x95: {  	s3 =	sld [smem:$0x3FFD];
	_ =	sdelay $0x3  }
0x96: {  	_ =	strace s3  }
0x97: {  	_ =	strace $0x8FFFFFFF  }
0x98: {  	s19 =	sld [smem:$0x3FDB];
	_ =	sdelay $0x1  }
0x99: {  	s4 =	simm.s32 $_scs_section_size  }
0x9a: {  	s5 =	simm.s32 $_size__tile_overlayer_lowered;
	s6 =	simm.s32 $_tile_overlayer_lowered  }
0x9b: {  	s22 =	simm.s32 $0x1BFF;
	s21 =	sshll.u32 s6, $0x1;
	s3 =	sadd.s32 s4, s19  }
0x9c: {  	s7 =	simm.s32 $0x0;
	s20 =	sshll.u32 s5, $0x1;
	s5 =	sadd.s32 s21, s3  }
0x9d: {  	[timem:s7], [sflag:s22] =	dma.local [hbm:s5], s20  }
0x9e: {  	_ =	swait.ge [sflag:s22], s20  }
0x9f: {  	s4 =	ssub.s32 $0x0, s20;
	[sflag:s22] =	ssyncset.done $0x0  }
0xa0: {  	[sflag:s22] =	ssyncadd.s32 s4;
	_ =	sdelay $0x1  }
0xa1: {  	s23 =	simm.s32 $0x1B8B  }
0xa2: {  	_ =	swait.ge [sflag:s23], $0x1  }
0xa3: {  	[sflag:s23] =	ssyncset.done $0x0  }
0xa4: {  	s25 =	simm.s32 $0x1B8E;
	s24 =	sld [smem:$0x3FFE];
	[sflag:s23] =	ssyncadd.s32 $0xFFFFFFFF  }
0xa5: {  	s26 =	simm.s32 $execute0_lowered;
	[smem:$0x3FD2] =	sst s25  }
0xa6: {  	s5 =	sshll.u32 s26, $0x1;
	_ =	strace $0x80000046;
	[dreg:$0x1] =	wrdreg $0xFFFFFFFF  }
0xa7: {  	s28 =	simm.s32 $_size_execute0_lowered;
	s3 =	sadd.s32 s3, s5;
	[dreg:$0x0] =	wrdreg $0x0  }
0xa8: {  	s5 =	sshll.u32 s28, $0x1;
	[dreg:$0x2] =	wrdreg s3  }
0xa9: {  	[dreg:$0x3] =	wrdreg s5  }
0xaa: {  	[dreg:$0x4] =	wrdreg $0xC0  }
0xab: {  	_ =	task [dreg:s7], $0x5FFFF  }
0xac: {  	[dreg:$0x1] =	wrdreg $0xFFFFFFFF  }
0xad: {  	[dreg:$0x0] =	wrdreg $0x60  }
0xae: {  	[dreg:$0x2] =	wrdreg s24  }
0xaf: {  	[dreg:$0x3] =	wrdreg s2  }
0xb0: {  	[dreg:$0x4] =	wrdreg $0x9  }
0xb1: {  	_ =	task.clear_ibuf [dreg:s7], $0x5FFFF;
	_ =	strace $0x90000046  }
0xb2: {  	s29 =	simm.s32 $0x9;
	_ =	strace $0x80000048  }
0xb3: {  	_ =	swait.ge [sflag:s29], $0x1  }
0xb4: {  	[sflag:s29] =	ssyncadd.s32 $0xFFFFFFFF  }
0xb5: {  	_ =	strace $0x90000048  }
0xb6: {  	_ =	sfence  }
0xb7: {  	s30 =	sld [smem:$0x0];
	_ =	sdelay $0x2  }
0xb8: {  	s31 =	sshll.u32 s1, $0xD;
	s1 =	sshrl.u32 s1, $0x2  }
0xb9: {  	s3 =	sand.u32 $0x4000, s31;
	s1 =	sadd.s32 s1, s30  }
0xba: {  	s0 =	sor.u32 s3, s0;
	s1 =	sshll.u32 s1, $0x11  }
0xbb: {  	s0 =	sor.u32 s1, s0  }
0xbc: {  	s0 =	sadd.s32 $0x8F2B, s0  }
0xbd: {  	[sflag:s0] =	ssyncadd.remote.s32 $0x1  }
0xbe: {  	_ =	sfence.sel $0xFFFF  }
0xbf: {  	[dreg:$0x0] =	wrdreg $0xFFFFFFFF;
	(pc) =	sbr.abs _section_cstart, $3  }
0xc0: {  	[dreg:$0x1] =	wrdreg $0xFFFFFFFF  }
0xc1: {  	_ =	task.clear_ibuf [dreg:s7], $0x2FFFF;
	_ =	strace $0x9FFFFFFF  }
0xc2: {  	(tm) =	ssettm $0x7FFFFFFF  }
0xc3: {  	_ =	shalt  }
tec
execute0_lowered:
.L_overlay_start_1:
0x0: {  	(tag) =	ssettag $0x1  }
0x1: {  	v0 =	vimm.s32 $0xEFCDAB89;
	v1 =	vimm.s32 $0x67452301  }
0x2: {  	v2 =	vimm.s32 $0xDCFE98BA;
	v3 =	vimm.s32 $0x54761032;
	v4 =	vimm.s32 $0xBA98FEDC  }
0x3: {  	v5 =	vimm.s32 $0x32107654;
	v6 =	vimm.s32 $0xFEDCBA98;
	v7 =	vimm.s32 $0x76543210  }
0x4: {  	vm0 =	vmmov $0x1;
	vm1 =	vmmov $0x3;
	vm2 =	vmmov $0x7  }
0x5: {  	s8 =	rddreg [dreg:$0x0];
	vm3 =	vmmov $0xf;
	vm4 =	vmmov $0x1f;
	vm5 =	vmmov $0x3f  }
0x6: {  	s1 =	rddreg [dreg:$0x1];
	vm6 =	vmmov $0x7f;
	vm7 =	vmmov $0xff;
	vm8 =	vmmov $0x1ff  }
0x7: {  	s0 =	rddreg [dreg:$0x2];
	vm9 =	vmmov $0x3ff;
	vm10 =	vmmov $0x7ff;
	vm11 =	vmmov $0xfff  }
0x8: {  	s2 =	simm.s32 $0x0;
	s3 =	srdreg.scid;
	s13 =	simm.s32 $0x190;
	vm12 =	vmmov $0x1fff;
	v0 =	vunpack.c.l.s4.s8 v0;
	v1 =	vunpack.c.l.s4.s8 v1  }
0x9: {  	s14 =	simm.s32 $0x320;
	s15 =	simm.s32 $0x3520;
	s16 =	simm.s32 $0x1;
	v2 =	vunpack.c.l.s4.s8 v2;
	v3 =	vunpack.c.l.s4.s8 v3;
	v4 =	vunpack.c.l.s4.s8 v4  }
0xa: {  	s17 =	simm.s32 $0x2;
	s18 =	simm.s32 $0x6740;
	s19 =	simm.s32 $0x0;
	v5 =	vunpack.c.l.s4.s8 v5;
	v6 =	vunpack.c.l.s4.s8 v6;
	v7 =	vunpack.c.l.s4.s8 v7  }
0xb: {  	[smem:$0x7FF] =	sst s2;
	s4 =	sadd.s32 $0x63C00, s8;
	s9 =	sand.u32 $0x1, s3;
	v0 =	vunpack.c.0.s8.s32 v0;
	v1 =	vunpack.c.0.s8.s32 v1;
	v2 =	vunpack.c.0.s8.s32 v2  }
0xc: {  	s5 =	sadd.s32 $0x2000, s8;
	s3 =	stileid.u32;
	s6 =	sadd.s32 $0xF6600, s8;
	v3 =	vunpack.c.0.s8.s32 v3;
	v4 =	vunpack.c.0.s8.s32 v4;
	v5 =	vunpack.c.0.s8.s32 v5  }
0xd: {  	vm13 =	vmmov $0x3fff;
	s7 =	sadd.s32 $0xC5800, s8;
	s8 =	sadd.s32 $0x127400, s8;
	s10 =	ssub.s32 $0x2, s9;
	v0 =	vcombine.low v1, v0;
	v1 =	vunpack.c.0.s8.s32 v6  }
0xe: {  	_ =	strace $0x80000047;
	s12 =	sshll.u32 s3, $0x1;
	s11 =	sshrl.u32 s10, $0x1;
	v2 =	vcombine.low v3, v2;
	v3 =	vcombine.low v5, v4;
	v4 =	vunpack.c.0.s8.s32 v7  }
0xf: {  	vm14 =	vmmov $0x7fff;
	s9 =	sor.u32 s9, s12;
	s12 =	simm.s32 $0x3;
	s10 =	ssub.s32 s10, s11;
	v0 =	vand.u32 $0xF, v0;
	v5 =	vand.u32 $0xF, v1  }
0x10: {  	s9 =	smul.u32 $0xC350, s9;
	s11 =	simm.s32 $0x6720;
	s10 =	smax.u32 s10, $0x1;
	v1 =	vand.u32 $0xF, v2;
	v2 =	vand.u32 $0xF, v3;
	v3 =	vcombine.low v5, v4  }
.LBB2_1:
0x11: {  	[tilespmem:s11], [sflag:$0x3] =	stream.linear.gather [hbm4b:s1+s2], $0x20, $0x38;
	[tilespmem:$0x68D0] =	vst v63  }
0x12: {  	_ =	swait.ge [sflag:s12], $0x20  }
0x13: {  	[sflag:s12] =	ssyncset.done $0x0  }
0x14: {  	[sflag:s12] =	ssyncadd.s32 $0xFFFFFFE0  }
0x15: {  	v4 =	vld [tilespmem:$0x6720]  }
0x16: {  	v5 =	vld [tilespmem:$0x6730];
	_ =	sdelay $0x2  }
0x17: {  	s20 =	simm.s32 $0x0  }
.LBB2_2:
0x18: {  	s21 =	smul.u32 $0x190, s20;
	_ =	sdelay $0x1  }
0x19: {  	s21 =	sadd.s32 s9, s21  }
0x1a: {  	s21 =	sshrl.u32 s21, $0x3  }
0x1b: {  	s22 =	sadd.s32 s6, s21  }
0x1c: {  	[tilespmem:s2], [sflag:$0x3] =	stream.linear.gather [hbm4b:s22+s2], $0x190, $0x38;
	[tilespmem:$0x68D0] =	vst v63  }
0x1d: {  	_ =	swait.ge [sflag:s12], $0x190  }
0x1e: {  	[sflag:s12] =	ssyncset.done $0x0  }
0x1f: {  	s30 =	sadd.s32 s7, s21;
	[sflag:s12] =	ssyncadd.s32 $0xFFFFFE70  }
0x20: {  	[tilespmem:s13], [sflag:$0x3] =	stream.linear.gather [hbm4b:s30+s2], $0x190, $0x38;
	[tilespmem:$0x68D0] =	vst v63  }
0x21: {  	_ =	swait.ge [sflag:s12], $0x190  }
0x22: {  	[sflag:s12] =	ssyncset.done $0x0  }
0x23: {  	[sflag:s12] =	ssyncadd.s32 $0xFFFFFE70  }
0x24: {  	[tilespmem:s14], [sflag:$0x1] =	stream.indirect.gather [hbm4b:s4+s13], $0x20, s2, s13, $0xb8;
	[tilespmem:$0x68D0] =	vst v63  }
0x25: {  	_ = 	snop  }
0x26: {  	[tilespmem:s15], [sflag:$0x2] =	stream.indirect.gather [hbm4b:s5+s13], $0x20, s13, s13, $0xb8;
	[tilespmem:$0x68D0] =	vst v63  }
0x27: {  	_ =	swait.ge [sflag:s16], $0x3200  }
0x28: {  	[sflag:s16] =	ssyncset.done $0x0  }
0x29: {  	[sflag:s16] =	ssyncadd.s32 $0xFFFFCE00  }
0x2a: {  	_ =	swait.ge [sflag:s17], $0x3200  }
0x2b: {  	[sflag:s17] =	ssyncset.done $0x0  }
0x2c: {  	s31 =	simm.s32 $0x1F0;
	[sflag:s17] =	ssyncadd.s32 $0xFFFFCE00  }
0x2d: {  	v6 =	vld [tilespmem:s31+$0x310]  }
0x2e: {  	v7 =	vld [tilespmem:s31+$0x3510]  }
0x2f: {  	v8 =	vld [tilespmem:s31+$0x320]  }
0x30: {  	v9 =	vld [tilespmem:s31+$0x3520]  }
0x31: {  	v10 =	vld [tilespmem:s31+$0x2F0]  }
0x32: {  	v11 =	vld [tilespmem:s31+$0x34F0]  }
0x33: {  	v12 =	vld [tilespmem:s31+$0x300]  }
0x34: {  	v13 =	vld [tilespmem:s31+$0x3500]  }
0x35: {  	v14 =	vld [tilespmem:s31+$0x2D0]  }
0x36: {  	v15 =	vld [tilespmem:s31+$0x34D0]  }
0x37: {  	v16 =	vld [tilespmem:s31+$0x2E0]  }
0x38: {  	v17 =	vld [tilespmem:s31+$0x34B0]  }
0x39: {  	v18 =	vld [tilespmem:s31+$0x2C0]  }
0x3a: {  	v19 =	vld [tilespmem:s31+$0x34C0];
	v6 =	vadd.f32 v7, v6;
	v7 =	vadd.f32 v9, v8  }
0x3b: {  	v8 =	vld [tilespmem:s31+$0x34E0]  }
0x3c: {  	v9 =	vld [tilespmem:s31+$0x2B0];
	v6 =	vmax.f32 v6, $0.0e+00;
	v7 =	vmax.f32 v7, $0.0e+00  }
0x3d: {  	v20 =	vld [tilespmem:s31+$0x3480];
	v6 =	vmul.f32 v6, v4;
	v7 =	vmul.f32 v7, v5  }
0x3e: {  	v22 =	vld [tilespmem:s31+$0x260];
	v14 =	vadd.f32 v15, v14  }
0x3f: {  	v24 =	vld [tilespmem:s31+$0x3460];
	v6 =	vadd.f32 v7, v6;
	v7 =	vadd.f32 v11, v10  }
0x40: {  	v15 =	vld [tilespmem:s31+$0x2A0];
	v14 =	vmax.f32 v14, $0.0e+00;
	v10 =	vadd.f32 v13, v12;
	v8 =	vadd.f32 v8, v16  }
0x41: {  	v14 =	vmul.f32 v14, v4;
	v11 =	vld [tilespmem:s31+$0x290];
	v9 =	vadd.f32 v17, v9;
	v17 =	vadd.f32 v19, v18  }
0x42: {  	v13 =	vld [tilespmem:s31+$0x3490];
	v12 =	vperm.xlane v6, v0;
	v7 =	vmax.f32 v7, $0.0e+00;
	v10 =	vmax.f32 v10, $0.0e+00  }
0x43: {  	v16 =	vld [tilespmem:s31+$0x34A0];
	v8 =	vmax.f32 v8, $0.0e+00;
	v9 =	vmax.f32 v9, $0.0e+00;
	v7 =	vmul.f32 v7, v4  }
0x44: {  	v19 =	vld [tilespmem:s31+$0x280];
	v17 =	vmax.f32 v17, $0.0e+00;
	v10 =	vmul.f32 v10, v5;
	v8 =	vmul.f32 v8, v5  }
0x45: {  	v18 =	vld [tilespmem:s31+$0x270];
	v9 =	vmul.f32 v9, v4;
	v17 =	vmul.f32 v17, v5  }
0x46: {  	v6 =	vadd.f32 v6, v12;
	v12 =	vld [tilespmem:s31+$0x250];
	v7 =	vadd.f32 v10, v7  }
0x47: {  	v10 =	vld [tilespmem:s31+$0x3470];
	v8 =	vadd.f32 v8, v14;
	v9 =	vadd.f32 v17, v9  }
0x48: {  	v17 =	vld [tilespmem:s31+$0x3450];
	v11 =	vadd.f32 v13, v11;
	v15 =	vadd.f32 v16, v15  }
0x49: {  	v26 =	vld [tilespmem:s31+$0x240];
	v19 =	vadd.f32 v20, v19;
	v14 =	vperm.xlane v7, v0;
	v21 =	vperm.xlane v8, v0  }
0x4a: {  	v28 =	vld [tilespmem:s31+$0x3440];
	v23 =	vperm.xlane v9, v0;
	v11 =	vmax.f32 v11, $0.0e+00;
	v15 =	vmax.f32 v15, $0.0e+00  }
0x4b: {  	v29 =	vld [tilespmem:s31+$0x3400];
	v19 =	vmax.f32 v19, $0.0e+00;
	v11 =	vmul.f32 v11, v4;
	v7 =	vadd.f32 v7, v14  }
0x4c: {  	v30 =	vld [tilespmem:s31+$0x1C0];
	v15 =	vmul.f32 v15, v5;
	v8 =	vadd.f32 v8, v21;
	v9 =	vadd.f32 v9, v23  }
0x4d: {  	v13 =	vld [tilespmem:s31+$0x3410];
	v14 =	vperm.xlane v6, v1;
	v10 =	vadd.f32 v10, v18;
	v12 =	vadd.f32 v17, v12  }
0x4e: {  	v20 =	vld [tilespmem:s31+$0x1F0];
	v19 =	vmul.f32 v19, v5;
	v17 =	vadd.f32 v24, v22;
	v11 =	vadd.f32 v15, v11  }
0x4f: {  	v23 =	vld [tilespmem:s31+$0x3430];
	v21 =	vperm.xlane v7, v1;
	v6 =	vadd.f32 v6, v14;
	v25 =	vperm.xlane v8, v1  }
0x50: {  	v22 =	vld [tilespmem:s31+$0x33F0];
	v27 =	vperm.xlane v9, v1;
	v10 =	vmax.f32 v10, $0.0e+00;
	v12 =	vmax.f32 v12, $0.0e+00  }
0x51: {  	v24 =	vld [tilespmem:s31+$0x200];
	v17 =	vmax.f32 v17, $0.0e+00;
	v7 =	vadd.f32 v7, v21;
	v21 =	vperm.xlane v6, v2  }
0x52: {  	v14 =	vld [tilespmem:s31+$0x230];
	v8 =	vadd.f32 v8, v25;
	v12 =	vmul.f32 v12, v4;
	v17 =	vmul.f32 v17, v5  }
0x53: {  	v9 =	vadd.f32 v9, v27;
	v27 =	vld [tilespmem:s31+$0x3420];
	v10 =	vmul.f32 v10, v4;
	v25 =	vperm.xlane v7, v2  }
0x54: {  	v6 =	vadd.f32 v6, v21;
	v21 =	vld [tilespmem:s31+$0x210];
	v12 =	vadd.f32 v17, v12  }
0x55: {  	v16 =	vperm.xlane v8, v2;
	v10 =	vadd.f32 v19, v10;
	v7 =	vadd.f32 v7, v25;
	v25 =	vld [tilespmem:s31+$0x220]  }
0x56: {  	v31 =	vld [tilespmem:s31+$0x170];
	v18 =	vperm.xlane v9, v2;
	v20 =	vadd.f32 v22, v20;
	v22 =	vadd.f32 v29, v24  }
0x57: {  	v33 =	vld [tilespmem:s31+$0x3370];
	v19 =	vperm.xlane v11, v0;
	v14 =	vadd.f32 v23, v14;
	v8 =	vadd.f32 v8, v16  }
0x58: {  	v35 =	vld [tilespmem:s31+$0x130];
	v9 =	vadd.f32 v9, v18;
	v18 =	vadd.f32 v28, v26;
	v26 =	vperm.xlane v10, v0  }
0x59: {  	v37 =	vld [tilespmem:s31+$0x140];
	v11 =	vadd.f32 v11, v19;
	v20 =	vmax.f32 v20, $0.0e+00;
	v22 =	vmax.f32 v22, $0.0e+00  }
0x5a: {  	v17 =	vld [tilespmem:s31+$0x1E0];
	v14 =	vmax.f32 v14, $0.0e+00;
	v13 =	vadd.f32 v13, v21;
	v25 =	vadd.f32 v27, v25  }
0x5b: {  	v23 =	vld [tilespmem:s31+$0x33E0];
	v20 =	vmul.f32 v20, v4;
	v22 =	vmul.f32 v22, v5;
	v10 =	vadd.f32 v10, v26  }
0x5c: {  	v15 =	vld [tilespmem:s31+$0x33D0];
	v26 =	vperm.xlane v11, v1;
	v13 =	vmax.f32 v13, $0.0e+00;
	v24 =	vmax.f32 v25, $0.0e+00  }
0x5d: {  	v16 =	vld [tilespmem:s31+$0x1D0];
	v18 =	vmax.f32 v18, $0.0e+00;
	v13 =	vmul.f32 v13, v4;
	v24 =	vmul.f32 v24, v5  }
0x5e: {  	v50 =	vld [tilespmem:s31+$0x3340];
	v14 =	vmul.f32 v14, v4;
	v18 =	vmul.f32 v18, v5;
	v20 =	vadd.f32 v22, v20  }
0x5f: {  	v52 =	vld [tilespmem:s31+$0x3350];
	v21 =	vperm.xlane v12, v0;
	v11 =	vadd.f32 v11, v26;
	v13 =	vadd.f32 v24, v13  }
0x60: {  	v28 =	vld [tilespmem:s31+$0x1B0];
	v32 =	vperm.xlane v10, v1;
	v17 =	vadd.f32 v23, v17;
	v14 =	vadd.f32 v18, v14  }
0x61: {  	v19 =	vld [tilespmem:s31+$0x190];
	v12 =	vadd.f32 v12, v21;
	v34 =	vperm.xlane v20, v0;
	v22 =	vperm.xlane v13, v0  }
0x62: {  	v18 =	vld [tilespmem:s31+$0x3390];
	v15 =	vadd.f32 v15, v16;
	v10 =	vadd.f32 v10, v32;
	v29 =	vperm.xlane v14, v0  }
0x63: {  	v27 =	vld [tilespmem:s31+$0x33B0];
	v49 =	vperm.xlane v11, v2;
	v17 =	vmax.f32 v17, $0.0e+00;
	v13 =	vadd.f32 v13, v22  }
0x64: {  	v23 =	vld [tilespmem:s31+$0x160];
	v20 =	vadd.f32 v20, v34;
	v14 =	vadd.f32 v14, v29;
	v29 =	vperm.xlane v12, v1  }
0x65: {  	v21 =	vld [tilespmem:s31+$0x33A0];
	v15 =	vmax.f32 v15, $0.0e+00;
	v17 =	vmul.f32 v17, v5;
	v48 =	vperm.xlane v13, v1  }
0x66: {  	v25 =	vld [tilespmem:s31+$0x33C0];
	v36 =	vperm.xlane v10, v2;
	v26 =	vperm.xlane v14, v1;
	v12 =	vadd.f32 v12, v29  }
0x67: {  	v38 =	vperm.xlane v20, v1;
	v24 =	vld [tilespmem:s31+$0x1A0];
	v18 =	vadd.f32 v18, v19;
	v13 =	vadd.f32 v13, v48  }
0x68: {  	v19 =	vadd.f32 v27, v28;
	v27 =	vld [tilespmem:s31+$0x3380];
	v14 =	vadd.f32 v14, v26;
	v26 =	vperm.xlane v12, v2  }
0x69: {  	v11 =	vadd.f32 v11, v49;
	v29 =	vld [tilespmem:s31+$0x3330];
	v16 =	vadd.f32 v20, v38;
	v20 =	vperm.xlane v13, v2  }
0x6a: {  	v15 =	vmul.f32 v15, v4;
	v10 =	vadd.f32 v10, v36;
	v12 =	vadd.f32 v12, v26;
	v26 =	vld [tilespmem:s31+$0x150]  }
0x6b: {  	v28 =	vadd.f32 v33, v31;
	v13 =	vadd.f32 v13, v20;
	v20 =	vld [tilespmem:s31+$0x3360]  }
0x6c: {  	v15 =	vadd.f32 v17, v15;
	v25 =	vadd.f32 v25, v30;
	v18 =	vmax.f32 v18, $0.0e+00;
	v22 =	vld [tilespmem:s31+$0x180]  }
0x6d: {  	v19 =	vmax.f32 v19, $0.0e+00;
	v30 =	vadd.f32 v50, v37;
	v28 =	vmax.f32 v28, $0.0e+00  }
0x6e: {  	v53 =	vperm.xlane v16, v2;
	v18 =	vmul.f32 v18, v4;
	v29 =	vadd.f32 v29, v35  }
0x6f: {  	v19 =	vmul.f32 v19, v4;
	v25 =	vmax.f32 v25, $0.0e+00;
	v26 =	vadd.f32 v52, v26  }
0x70: {  	v21 =	vadd.f32 v21, v24;
	v24 =	vmax.f32 v29, $0.0e+00;
	v20 =	vadd.f32 v20, v23  }
0x71: {  	v24 =	vmul.f32 v24, v4;
	v22 =	vadd.f32 v27, v22;
	v26 =	vmax.f32 v26, $0.0e+00  }
0x72: {  	v26 =	vmul.f32 v26, v4;
	v23 =	vmax.f32 v30, $0.0e+00;
	v20 =	vmax.f32 v20, $0.0e+00  }
0x73: {  	v22 =	vmax.f32 v22, $0.0e+00;
	v23 =	vmul.f32 v23, v5;
	v20 =	vmul.f32 v20, v5  }
0x74: {  	v21 =	vmax.f32 v21, $0.0e+00;
	v27 =	vmul.f32 v28, v4;
	v22 =	vmul.f32 v22, v5  }
0x75: {  	v21 =	vmul.f32 v21, v5;
	v23 =	vadd.f32 v23, v24;
	v20 =	vadd.f32 v20, v26  }
0x76: {  	v51 =	vperm.xlane v14, v2;
	v22 =	vadd.f32 v22, v27;
	v24 =	vmul.f32 v25, v5  }
0x77: {  	v18 =	vadd.f32 v21, v18;
	v25 =	vperm.xlane v23, v0;
	v26 =	vperm.xlane v20, v0  }
0x78: {  	v16 =	vadd.f32 v16, v53;
	v21 =	vperm.xlane v22, v0;
	v19 =	vadd.f32 v24, v19  }
0x79: {  	v17 =	vadd.f32 v23, v25;
	v23 =	vperm.xlane v18, v0;
	v20 =	vadd.f32 v20, v26  }
0x7a: {  	v21 =	vadd.f32 v22, v21;
	v24 =	vperm.xlane v15, v0;
	v22 =	vperm.xlane v19, v0  }
0x7b: {  	v25 =	vperm.xlane v17, v1;
	v18 =	vadd.f32 v18, v23;
	v26 =	vperm.xlane v20, v1  }
0x7c: {  	v15 =	vadd.f32 v15, v24;
	v23 =	vperm.xlane v21, v1;
	v19 =	vadd.f32 v19, v22  }
0x7d: {  	v17 =	vadd.f32 v17, v25;
	v22 =	vperm.xlane v18, v1;
	v20 =	vadd.f32 v20, v26  }
0x7e: {  	v24 =	vperm.xlane v15, v1;
	v21 =	vadd.f32 v21, v23;
	v23 =	vperm.xlane v19, v1  }
0x7f: {  	v25 =	vperm.xlane v17, v2;
	v18 =	vadd.f32 v18, v22;
	v26 =	vperm.xlane v20, v2  }
0x80: {  	v15 =	vadd.f32 v15, v24;
	v22 =	vperm.xlane v21, v2;
	v19 =	vadd.f32 v19, v23  }
0x81: {  	v17 =	vadd.f32 v17, v25;
	v23 =	vperm.xlane v18, v2;
	v20 =	vadd.f32 v20, v26  }
0x82: {  	v24 =	vperm.xlane v15, v2;
	v21 =	vadd.f32 v21, v22;
	v22 =	vperm.xlane v19, v2  }
0x83: {  	v25 =	vperm.xlane v17, v3;
	v18 =	vadd.f32 v18, v23;
	v26 =	vperm.xlane v20, v3  }
0x84: {  	v15 =	vadd.f32 v15, v24;
	v23 =	vperm.xlane v21, v3;
	v19 =	vadd.f32 v19, v22  }
0x85: {  	v17 =	vadd.f32 v17, v25;
	v22 =	vperm.xlane v18, v3;
	v20 =	vadd.f32 v20, v26  }
0x86: {  	v14 =	vadd.f32 v14, v51;
	v21 =	vadd.f32 v21, v23;
	v23 =	vperm.xlane v19, v3  }
0x87: {  	v18 =	vadd.f32 v18, v22;
	v17 =	vsel vm0, v17, v20;
	v20 =	vperm.xlane v15, v3  }
0x88: {  	v19 =	vadd.f32 v19, v23;
	v17 =	vsel vm1, v17, v21;
	v21 =	vperm.xlane v16, v3  }
0x89: {  	v17 =	vsel vm2, v17, v18;
	v15 =	vadd.f32 v15, v20;
	v18 =	vperm.xlane v13, v3  }
0x8a: {  	v17 =	vsel vm3, v17, v19;
	v16 =	vadd.f32 v16, v21;
	v19 =	vperm.xlane v14, v3  }
0x8b: {  	v15 =	vsel vm4, v17, v15;
	v13 =	vadd.f32 v13, v18;
	v17 =	vperm.xlane v12, v3  }
0x8c: {  	v15 =	vsel vm5, v15, v16;
	v14 =	vadd.f32 v14, v19;
	v16 =	vperm.xlane v10, v3  }
0x8d: {  	v13 =	vsel vm6, v15, v13;
	v12 =	vadd.f32 v12, v17;
	v15 =	vperm.xlane v11, v3  }
0x8e: {  	v13 =	vsel vm7, v13, v14;
	v10 =	vadd.f32 v10, v16;
	v14 =	vperm.xlane v9, v3  }
0x8f: {  	v12 =	vsel vm8, v13, v12;
	v11 =	vadd.f32 v11, v15;
	v13 =	vperm.xlane v8, v3  }
0x90: {  	v10 =	vsel vm9, v12, v10;
	v9 =	vadd.f32 v9, v14;
	v12 =	vperm.xlane v7, v3  }
0x91: {  	v10 =	vsel vm10, v10, v11;
	v8 =	vadd.f32 v8, v13;
	v11 =	vperm.xlane v6, v3  }
0x92: {  	v9 =	vsel vm11, v10, v9;
	v7 =	vadd.f32 v7, v12  }
0x93: {  	v8 =	vsel vm12, v9, v8;
	v6 =	vadd.f32 v6, v11  }
0x94: {  	v7 =	vsel vm13, v8, v7  }
0x95: {  	s22 =	simm.s32 $0x6740;
	v6 =	vsel vm14, v7, v6  }
0x96: {  	s23 =	simm.s32 $0x3F0;
	[tilespmem:s22+$0x0] =	vst v6  }
0x97: {  	v6 =	vld [tilespmem:s23+$0x310]  }
0x98: {  	v7 =	vld [tilespmem:s23+$0x3510]  }
0x99: {  	v8 =	vld [tilespmem:s23+$0x320]  }
0x9a: {  	v9 =	vld [tilespmem:s23+$0x3520]  }
0x9b: {  	v10 =	vld [tilespmem:s23+$0x2F0]  }
0x9c: {  	v11 =	vld [tilespmem:s23+$0x34F0]  }
0x9d: {  	v12 =	vld [tilespmem:s23+$0x300]  }
0x9e: {  	v13 =	vld [tilespmem:s23+$0x3500]  }
0x9f: {  	v14 =	vld [tilespmem:s23+$0x2D0]  }
0xa0: {  	v15 =	vld [tilespmem:s23+$0x34D0]  }
0xa1: {  	v16 =	vld [tilespmem:s23+$0x2E0]  }
0xa2: {  	v17 =	vld [tilespmem:s23+$0x34B0]  }
0xa3: {  	v18 =	vld [tilespmem:s23+$0x2C0]  }
0xa4: {  	v19 =	vld [tilespmem:s23+$0x34C0];
	v6 =	vadd.f32 v7, v6;
	v7 =	vadd.f32 v9, v8  }
0xa5: {  	v8 =	vld [tilespmem:s23+$0x34E0]  }
0xa6: {  	v9 =	vld [tilespmem:s23+$0x2B0];
	v6 =	vmax.f32 v6, $0.0e+00;
	v7 =	vmax.f32 v7, $0.0e+00  }
0xa7: {  	v20 =	vld [tilespmem:s23+$0x3480];
	v6 =	vmul.f32 v6, v4;
	v7 =	vmul.f32 v7, v5  }
0xa8: {  	v22 =	vld [tilespmem:s23+$0x260];
	v14 =	vadd.f32 v15, v14  }
0xa9: {  	v24 =	vld [tilespmem:s23+$0x3460];
	v6 =	vadd.f32 v7, v6;
	v7 =	vadd.f32 v11, v10  }
0xaa: {  	v15 =	vld [tilespmem:s23+$0x2A0];
	v14 =	vmax.f32 v14, $0.0e+00;
	v10 =	vadd.f32 v13, v12;
	v8 =	vadd.f32 v8, v16  }
0xab: {  	v14 =	vmul.f32 v14, v4;
	v11 =	vld [tilespmem:s23+$0x290];
	v9 =	vadd.f32 v17, v9;
	v17 =	vadd.f32 v19, v18  }
0xac: {  	v13 =	vld [tilespmem:s23+$0x3490];
	v12 =	vperm.xlane v6, v0;
	v7 =	vmax.f32 v7, $0.0e+00;
	v10 =	vmax.f32 v10, $0.0e+00  }
0xad: {  	v16 =	vld [tilespmem:s23+$0x34A0];
	v8 =	vmax.f32 v8, $0.0e+00;
	v9 =	vmax.f32 v9, $0.0e+00;
	v7 =	vmul.f32 v7, v4  }
0xae: {  	v19 =	vld [tilespmem:s23+$0x280];
	v17 =	vmax.f32 v17, $0.0e+00;
	v10 =	vmul.f32 v10, v5;
	v8 =	vmul.f32 v8, v5  }
0xaf: {  	v26 =	vld [tilespmem:s23+$0x240];
	v9 =	vmul.f32 v9, v4;
	v17 =	vmul.f32 v17, v5  }
0xb0: {  	v18 =	vld [tilespmem:s23+$0x270];
	v6 =	vadd.f32 v6, v12;
	v7 =	vadd.f32 v10, v7  }
0xb1: {  	v12 =	vld [tilespmem:s23+$0x250];
	v8 =	vadd.f32 v8, v14;
	v9 =	vadd.f32 v17, v9  }
0xb2: {  	v10 =	vld [tilespmem:s23+$0x3470];
	v11 =	vadd.f32 v13, v11;
	v15 =	vadd.f32 v16, v15  }
0xb3: {  	v17 =	vld [tilespmem:s23+$0x3450];
	v19 =	vadd.f32 v20, v19;
	v14 =	vperm.xlane v7, v0;
	v21 =	vperm.xlane v8, v0  }
0xb4: {  	v28 =	vld [tilespmem:s23+$0x3440];
	v23 =	vperm.xlane v9, v0;
	v11 =	vmax.f32 v11, $0.0e+00;
	v15 =	vmax.f32 v15, $0.0e+00  }
0xb5: {  	v29 =	vld [tilespmem:s23+$0x3400];
	v19 =	vmax.f32 v19, $0.0e+00;
	v11 =	vmul.f32 v11, v4;
	v15 =	vmul.f32 v15, v5  }
0xb6: {  	v13 =	vld [tilespmem:s23+$0x3410];
	v19 =	vmul.f32 v19, v5;
	v7 =	vadd.f32 v7, v14;
	v8 =	vadd.f32 v8, v21  }
0xb7: {  	v20 =	vld [tilespmem:s23+$0x1F0];
	v14 =	vperm.xlane v6, v1;
	v9 =	vadd.f32 v9, v23;
	v10 =	vadd.f32 v10, v18  }
0xb8: {  	v23 =	vld [tilespmem:s23+$0x3430];
	v12 =	vadd.f32 v17, v12;
	v17 =	vadd.f32 v24, v22;
	v21 =	vperm.xlane v7, v1  }
0xb9: {  	v22 =	vld [tilespmem:s23+$0x33F0];
	v6 =	vadd.f32 v6, v14;
	v25 =	vperm.xlane v8, v1;
	v27 =	vperm.xlane v9, v1  }
0xba: {  	v24 =	vld [tilespmem:s23+$0x200];
	v10 =	vmax.f32 v10, $0.0e+00;
	v12 =	vmax.f32 v12, $0.0e+00;
	v7 =	vadd.f32 v7, v21  }
0xbb: {  	v14 =	vld [tilespmem:s23+$0x230];
	v17 =	vmax.f32 v17, $0.0e+00;
	v21 =	vperm.xlane v6, v2;
	v8 =	vadd.f32 v8, v25  }
0xbc: {  	v9 =	vadd.f32 v9, v27;
	v27 =	vld [tilespmem:s23+$0x3420];
	v10 =	vmul.f32 v10, v4;
	v25 =	vperm.xlane v7, v2  }
0xbd: {  	v12 =	vmul.f32 v12, v4;
	v17 =	vmul.f32 v17, v5;
	v6 =	vadd.f32 v6, v21;
	v21 =	vld [tilespmem:s23+$0x210]  }
0xbe: {  	v11 =	vadd.f32 v15, v11;
	v7 =	vadd.f32 v7, v25;
	v25 =	vld [tilespmem:s23+$0x220]  }
0xbf: {  	v54 =	vld [tilespmem:s23+$0x1E0];
	v16 =	vperm.xlane v8, v2;
	v12 =	vadd.f32 v17, v12;
	v10 =	vadd.f32 v19, v10  }
0xc0: {  	v55 =	vld [tilespmem:s23+$0x33E0];
	v18 =	vperm.xlane v9, v2;
	v22 =	vadd.f32 v22, v20;
	v24 =	vadd.f32 v29, v24  }
0xc1: {  	v32 =	vld [tilespmem:s23+$0x150];
	v14 =	vadd.f32 v23, v14;
	v23 =	vperm.xlane v11, v0;
	v8 =	vadd.f32 v8, v16  }
0xc2: {  	v33 =	vld [tilespmem:s23+$0x3350];
	v9 =	vadd.f32 v9, v18;
	v18 =	vadd.f32 v28, v26;
	v28 =	vperm.xlane v10, v0  }
0xc3: {  	v34 =	vld [tilespmem:s23+$0x160];
	v14 =	vmax.f32 v14, $0.0e+00;
	v13 =	vadd.f32 v13, v21;
	v21 =	vadd.f32 v27, v25  }
0xc4: {  	v15 =	vld [tilespmem:s23+$0x33D0];
	v22 =	vmax.f32 v22, $0.0e+00;
	v19 =	vmax.f32 v18, $0.0e+00;
	v14 =	vmul.f32 v14, v4  }
0xc5: {  	v17 =	vld [tilespmem:s23+$0x1B0];
	v13 =	vmax.f32 v13, $0.0e+00;
	v25 =	vmul.f32 v19, v5;
	v21 =	vmax.f32 v21, $0.0e+00  }
0xc6: {  	v20 =	vld [tilespmem:s23+$0x33C0];
	v24 =	vmax.f32 v24, $0.0e+00;
	v13 =	vmul.f32 v13, v4;
	v21 =	vmul.f32 v21, v5  }
0xc7: {  	v16 =	vld [tilespmem:s23+$0x1D0];
	v11 =	vadd.f32 v11, v23;
	v24 =	vmul.f32 v24, v5;
	v27 =	vmul.f32 v22, v4  }
0xc8: {  	v26 =	vperm.xlane v12, v0;
	v23 =	vld [tilespmem:s23+$0x190];
	v14 =	vadd.f32 v25, v14;
	v13 =	vadd.f32 v21, v13  }
0xc9: {  	v18 =	vld [tilespmem:s23+$0x33B0];
	v10 =	vadd.f32 v10, v28;
	v28 =	vperm.xlane v11, v1;
	v30 =	vadd.f32 v24, v27  }
0xca: {  	v12 =	vadd.f32 v12, v26;
	v26 =	vld [tilespmem:s23+$0x170];
	v29 =	vperm.xlane v14, v0;
	v24 =	vperm.xlane v13, v0  }
0xcb: {  	v31 =	vperm.xlane v10, v1;
	v19 =	vld [tilespmem:s23+$0x1C0];
	v11 =	vadd.f32 v11, v28;
	v56 =	vperm.xlane v30, v0  }
0xcc: {  	v22 =	vld [tilespmem:s23+$0x33A0];
	v14 =	vadd.f32 v14, v29;
	v29 =	vperm.xlane v12, v1;
	v13 =	vadd.f32 v13, v24  }
0xcd: {  	v28 =	vld [tilespmem:s23+$0x3330];
	v58 =	vadd.f32 v10, v31;
	v59 =	vadd.f32 v30, v56  }
0xce: {  	v25 =	vld [tilespmem:s23+$0x3390];
	v57 =	vperm.xlane v14, v1;
	v12 =	vadd.f32 v12, v29;
	v10 =	vperm.xlane v13, v1  }
0xcf: {  	v35 =	vadd.f32 v55, v54;
	v16 =	vadd.f32 v15, v16;
	v27 =	vld [tilespmem:s23+$0x3370];
	v62 =	vperm.xlane v59, v1  }
0xd0: {  	v21 =	vld [tilespmem:s23+$0x1A0];
	v14 =	vadd.f32 v14, v57;
	v60 =	vperm.xlane v12, v2;
	v39 =	vadd.f32 v13, v10  }
0xd1: {  	v31 =	vperm.xlane v11, v2;
	v61 =	vperm.xlane v58, v2;
	v30 =	vld [tilespmem:s23+$0x140];
	v15 =	vadd.f32 v59, v62  }
0xd2: {  	v29 =	vld [tilespmem:s23+$0x130];
	v12 =	vadd.f32 v12, v60;
	v13 =	vperm.xlane v14, v2;
	v63 =	vperm.xlane v39, v2  }
0xd3: {  	v36 =	vmax.f32 v16, $0.0e+00;
	v24 =	vld [tilespmem:s23+$0x180];
	v10 =	vadd.f32 v11, v31;
	v11 =	vadd.f32 v58, v61  }
0xd4: {  	s24 =	simm.s32 $0x17C0;
	v16 =	vperm.xlane v15, v2;
	v31 =	vld [tilespmem:s23+$0x3340];
	v13 =	vadd.f32 v14, v13;
	v14 =	vadd.f32 v39, v63  }
.LBB2_3:
0xd5: {  	p0 =	sne.s32 s24, $0xC7C0;
	v37 =	vld [tilespmem:s23+$0x3360];
	v23 =	vadd.f32 v25, v23;
	v17 =	vadd.f32 v18, v17;
	v18 =	vmax.f32 v35, $0.0e+00  }
0xd6: {  	v19 =	vadd.f32 v20, v19;
	v20 =	vmul.f32 v36, v4;
	v25 =	vld [tilespmem:s23+$0x3380];
	v18 =	vmul.f32 v18, v5  }
0xd7: {  	v26 =	vadd.f32 v27, v26;
	v23 =	vmax.f32 v23, $0.0e+00;
	v17 =	vmax.f32 v17, $0.0e+00  }
0xd8: {  	v27 =	vadd.f32 v28, v29;
	v19 =	vmax.f32 v19, $0.0e+00;
	v23 =	vmul.f32 v23, v4  }
0xd9: {  	v21 =	vadd.f32 v22, v21;
	v28 =	vadd.f32 v31, v30;
	v26 =	vmax.f32 v26, $0.0e+00  }
0xda: {  	v22 =	vmax.f32 v27, $0.0e+00;
	v27 =	vadd.f32 v33, v32;
	v29 =	vadd.f32 v37, v34  }
0xdb: {  	v28 =	vmax.f32 v28, $0.0e+00;
	v22 =	vmul.f32 v22, v4;
	v24 =	vadd.f32 v25, v24  }
0xdc: {  	v27 =	vmax.f32 v27, $0.0e+00;
	v25 =	vmul.f32 v28, v5;
	v28 =	vmax.f32 v29, $0.0e+00  }
0xdd: {  	v27 =	vmul.f32 v27, v4;
	v28 =	vmul.f32 v28, v5;
	v24 =	vmax.f32 v24, $0.0e+00  }
0xde: {  	v21 =	vmax.f32 v21, $0.0e+00;
	v26 =	vmul.f32 v26, v4;
	v24 =	vmul.f32 v24, v5  }
0xdf: {  	v21 =	vmul.f32 v21, v5;
	v22 =	vadd.f32 v25, v22;
	v25 =	vadd.f32 v28, v27  }
0xe0: {  	v17 =	vmul.f32 v17, v4;
	v19 =	vmul.f32 v19, v5;
	v24 =	vadd.f32 v24, v26  }
0xe1: {  	v21 =	vadd.f32 v21, v23;
	v26 =	vperm.xlane v22, v0;
	v27 =	vperm.xlane v25, v0  }
0xe2: {  	v18 =	vadd.f32 v18, v20;
	v17 =	vadd.f32 v19, v17;
	v23 =	vperm.xlane v24, v0  }
0xe3: {  	v19 =	vadd.f32 v22, v26;
	v22 =	vperm.xlane v21, v0;
	v20 =	vadd.f32 v25, v27  }
0xe4: {  	v25 =	vperm.xlane v18, v0;
	v23 =	vadd.f32 v24, v23;
	v24 =	vperm.xlane v17, v0  }
0xe5: {  	v26 =	vperm.xlane v19, v1;
	v21 =	vadd.f32 v21, v22;
	v27 =	vperm.xlane v20, v1  }
0xe6: {  	v18 =	vadd.f32 v18, v25;
	v22 =	vperm.xlane v23, v1;
	v17 =	vadd.f32 v17, v24  }
0xe7: {  	v19 =	vadd.f32 v19, v26;
	v24 =	vperm.xlane v21, v1;
	v20 =	vadd.f32 v20, v27  }
0xe8: {  	v25 =	vperm.xlane v18, v1;
	v22 =	vadd.f32 v23, v22;
	v23 =	vperm.xlane v17, v1  }
0xe9: {  	v26 =	vperm.xlane v19, v2;
	v21 =	vadd.f32 v21, v24;
	v27 =	vperm.xlane v20, v2  }
0xea: {  	v18 =	vadd.f32 v18, v25;
	v24 =	vperm.xlane v22, v2;
	v17 =	vadd.f32 v17, v23  }
0xeb: {  	v19 =	vadd.f32 v19, v26;
	v23 =	vperm.xlane v21, v2;
	v20 =	vadd.f32 v20, v27  }
0xec: {  	v25 =	vperm.xlane v18, v2;
	v22 =	vadd.f32 v22, v24;
	v24 =	vperm.xlane v17, v2  }
0xed: {  	v26 =	vperm.xlane v19, v3;
	v21 =	vadd.f32 v21, v23;
	v27 =	vperm.xlane v20, v3  }
0xee: {  	v18 =	vadd.f32 v18, v25;
	v23 =	vperm.xlane v22, v3;
	v17 =	vadd.f32 v17, v24  }
0xef: {  	v19 =	vadd.f32 v19, v26;
	v24 =	vperm.xlane v21, v3;
	v20 =	vadd.f32 v20, v27  }
0xf0: {  	v15 =	vadd.f32 v15, v16;
	v22 =	vadd.f32 v22, v23;
	v23 =	vperm.xlane v17, v3  }
0xf1: {  	v16 =	vsel vm0, v19, v20;
	v19 =	vadd.f32 v21, v24;
	v20 =	vperm.xlane v18, v3  }
0xf2: {  	v21 =	vperm.xlane v15, v3;
	v16 =	vsel vm1, v16, v22;
	v17 =	vadd.f32 v17, v23  }
0xf3: {  	v16 =	vsel vm2, v16, v19;
	v18 =	vadd.f32 v18, v20;
	v19 =	vperm.xlane v14, v3  }
0xf4: {  	v15 =	vadd.f32 v15, v21;
	v16 =	vsel vm3, v16, v17;
	v17 =	vperm.xlane v13, v3  }
0xf5: {  	v16 =	vsel vm4, v16, v18;
	v14 =	vadd.f32 v14, v19;
	v18 =	vperm.xlane v12, v3  }
0xf6: {  	v15 =	vsel vm5, v16, v15;
	v13 =	vadd.f32 v13, v17;
	v16 =	vperm.xlane v11, v3  }
0xf7: {  	v14 =	vsel vm6, v15, v14;
	v12 =	vadd.f32 v12, v18;
	v15 =	vperm.xlane v10, v3  }
0xf8: {  	v13 =	vsel vm7, v14, v13;
	v11 =	vadd.f32 v11, v16;
	v14 =	vperm.xlane v9, v3  }
0xf9: {  	v12 =	vsel vm8, v13, v12;
	v10 =	vadd.f32 v10, v15;
	v13 =	vperm.xlane v8, v3  }
0xfa: {  	v11 =	vsel vm9, v12, v11;
	v9 =	vadd.f32 v9, v14;
	v12 =	vperm.xlane v7, v3  }
0xfb: {  	v10 =	vsel vm10, v11, v10;
	v8 =	vadd.f32 v8, v13;
	v11 =	vperm.xlane v6, v3  }
0xfc: {  	v9 =	vsel vm11, v10, v9;
	v7 =	vadd.f32 v7, v12  }
0xfd: {  	v8 =	vsel vm12, v9, v8;
	v6 =	vadd.f32 v6, v11  }
0xfe: {  	v7 =	vsel vm13, v8, v7  }
0xff: {  	s22 =	sadd.s32 $0x10, s22;
	v6 =	vsel vm14, v7, v6  }
0x100: {  	s23 =	sshra.s32 s24, $0x2;
	[tilespmem:s22+$0x0] =	vst v6  }
0x101: {  	v6 =	vld [tilespmem:s23+$0x310]  }
0x102: {  	v7 =	vld [tilespmem:s23+$0x3510]  }
0x103: {  	v8 =	vld [tilespmem:s23+$0x320]  }
0x104: {  	v9 =	vld [tilespmem:s23+$0x3520]  }
0x105: {  	v10 =	vld [tilespmem:s23+$0x2F0]  }
0x106: {  	v11 =	vld [tilespmem:s23+$0x34F0]  }
0x107: {  	v12 =	vld [tilespmem:s23+$0x300]  }
0x108: {  	v13 =	vld [tilespmem:s23+$0x3500]  }
0x109: {  	v14 =	vld [tilespmem:s23+$0x2D0]  }
0x10a: {  	v15 =	vld [tilespmem:s23+$0x34D0]  }
0x10b: {  	v6 =	vadd.f32 v7, v6;
	v7 =	vadd.f32 v9, v8;
	v16 =	vld [tilespmem:s23+$0x2E0]  }
0x10c: {  	v8 =	vld [tilespmem:s23+$0x34E0]  }
0x10d: {  	v6 =	vmax.f32 v6, $0.0e+00;
	v7 =	vmax.f32 v7, $0.0e+00;
	v9 =	vld [tilespmem:s23+$0x2B0]  }
0x10e: {  	v6 =	vmul.f32 v6, v4;
	v7 =	vmul.f32 v7, v5;
	v17 =	vld [tilespmem:s23+$0x34B0]  }
0x10f: {  	v18 =	vld [tilespmem:s23+$0x2C0]  }
0x110: {  	v6 =	vadd.f32 v7, v6;
	v19 =	vld [tilespmem:s23+$0x34C0]  }
0x111: {  	v7 =	vadd.f32 v11, v10;
	v10 =	vadd.f32 v13, v12  }
0x112: {  	v12 =	vperm.xlane v6, v0;
	v11 =	vld [tilespmem:s23+$0x290]  }
0x113: {  	v14 =	vadd.f32 v15, v14;
	v7 =	vmax.f32 v7, $0.0e+00;
	v10 =	vmax.f32 v10, $0.0e+00;
	v13 =	vld [tilespmem:s23+$0x3490]  }
0x114: {  	v8 =	vadd.f32 v8, v16;
	v7 =	vmul.f32 v7, v4;
	v10 =	vmul.f32 v10, v5;
	v15 =	vld [tilespmem:s23+$0x2A0]  }
0x115: {  	v14 =	vmax.f32 v14, $0.0e+00;
	v9 =	vadd.f32 v17, v9;
	v16 =	vld [tilespmem:s23+$0x34A0];
	v17 =	vadd.f32 v19, v18  }
0x116: {  	v14 =	vmul.f32 v14, v4;
	v8 =	vmax.f32 v8, $0.0e+00;
	v7 =	vadd.f32 v10, v7;
	v18 =	vld [tilespmem:s23+$0x270]  }
0x117: {  	v8 =	vmul.f32 v8, v5;
	v9 =	vmax.f32 v9, $0.0e+00;
	v10 =	vld [tilespmem:s23+$0x3470];
	v17 =	vmax.f32 v17, $0.0e+00  }
0x118: {  	v9 =	vmul.f32 v9, v4;
	v19 =	vld [tilespmem:s23+$0x280];
	v17 =	vmul.f32 v17, v5  }
0x119: {  	v6 =	vadd.f32 v6, v12;
	v8 =	vadd.f32 v8, v14;
	v14 =	vperm.xlane v7, v0;
	v20 =	vld [tilespmem:s23+$0x3480]  }
0x11a: {  	v12 =	vld [tilespmem:s23+$0x250];
	v9 =	vadd.f32 v17, v9  }
0x11b: {  	v21 =	vperm.xlane v8, v0;
	v7 =	vadd.f32 v7, v14;
	v14 =	vperm.xlane v6, v1;
	v17 =	vld [tilespmem:s23+$0x3450]  }
0x11c: {  	v22 =	vld [tilespmem:s23+$0x260];
	v23 =	vperm.xlane v9, v0  }
0x11d: {  	v8 =	vadd.f32 v8, v21;
	v21 =	vperm.xlane v7, v1;
	v6 =	vadd.f32 v6, v14;
	v24 =	vld [tilespmem:s23+$0x3460]  }
0x11e: {  	v14 =	vld [tilespmem:s23+$0x230];
	v9 =	vadd.f32 v9, v23  }
0x11f: {  	v25 =	vperm.xlane v8, v1;
	v7 =	vadd.f32 v7, v21;
	v21 =	vperm.xlane v6, v2;
	v23 =	vld [tilespmem:s23+$0x3430]  }
0x120: {  	v26 =	vld [tilespmem:s23+$0x240];
	v27 =	vperm.xlane v9, v1  }
0x121: {  	v8 =	vadd.f32 v8, v25;
	v25 =	vperm.xlane v7, v2;
	v6 =	vadd.f32 v6, v21;
	v28 =	vld [tilespmem:s23+$0x3440]  }
0x122: {  	v11 =	vadd.f32 v13, v11;
	v21 =	vld [tilespmem:s23+$0x210];
	v9 =	vadd.f32 v9, v27  }
0x123: {  	v15 =	vadd.f32 v16, v15;
	v16 =	vperm.xlane v8, v2;
	v7 =	vadd.f32 v7, v25;
	v13 =	vld [tilespmem:s23+$0x3410]  }
0x124: {  	v11 =	vmax.f32 v11, $0.0e+00;
	v10 =	vadd.f32 v10, v18;
	v25 =	vld [tilespmem:s23+$0x220];
	v18 =	vperm.xlane v9, v2  }
0x125: {  	v11 =	vmul.f32 v11, v4;
	v15 =	vmax.f32 v15, $0.0e+00;
	v19 =	vadd.f32 v20, v19;
	v27 =	vld [tilespmem:s23+$0x3420]  }
0x126: {  	v10 =	vmax.f32 v10, $0.0e+00;
	v12 =	vadd.f32 v17, v12;
	v17 =	vadd.f32 v24, v22;
	v20 =	vld [tilespmem:s23+$0x1F0]  }
0x127: {  	v15 =	vmul.f32 v15, v5;
	v10 =	vmul.f32 v10, v4;
	v19 =	vmax.f32 v19, $0.0e+00;
	v22 =	vld [tilespmem:s23+$0x33F0]  }
0x128: {  	v19 =	vmul.f32 v19, v5;
	v12 =	vmax.f32 v12, $0.0e+00;
	v17 =	vmax.f32 v17, $0.0e+00;
	v24 =	vld [tilespmem:s23+$0x200]  }
0x129: {  	v8 =	vadd.f32 v8, v16;
	v12 =	vmul.f32 v12, v4;
	v17 =	vmul.f32 v17, v5;
	v29 =	vld [tilespmem:s23+$0x3400]  }
0x12a: {  	v11 =	vadd.f32 v15, v11;
	v9 =	vadd.f32 v9, v18;
	v16 =	vld [tilespmem:s23+$0x1D0]  }
0x12b: {  	v10 =	vadd.f32 v19, v10;
	v12 =	vadd.f32 v17, v12;
	v15 =	vld [tilespmem:s23+$0x33D0]  }
0x12c: {  	v14 =	vadd.f32 v23, v14;
	v23 =	vperm.xlane v11, v0;
	v18 =	vadd.f32 v28, v26;
	v34 =	vld [tilespmem:s23+$0x1E0]  }
0x12d: {  	v28 =	vperm.xlane v10, v0;
	v13 =	vadd.f32 v13, v21;
	v26 =	vperm.xlane v12, v0;
	v35 =	vld [tilespmem:s23+$0x33E0]  }
0x12e: {  	v14 =	vmax.f32 v14, $0.0e+00;
	v19 =	vmax.f32 v18, $0.0e+00;
	v21 =	vadd.f32 v27, v25;
	v17 =	vld [tilespmem:s23+$0x1B0]  }
0x12f: {  	v14 =	vmul.f32 v14, v4;
	v13 =	vmax.f32 v13, $0.0e+00;
	v25 =	vmul.f32 v19, v5;
	v18 =	vld [tilespmem:s23+$0x33B0]  }
0x130: {  	v22 =	vadd.f32 v22, v20;
	v21 =	vmax.f32 v21, $0.0e+00;
	v24 =	vadd.f32 v29, v24;
	v19 =	vld [tilespmem:s23+$0x1C0]  }
0x131: {  	v11 =	vadd.f32 v11, v23;
	v13 =	vmul.f32 v13, v4;
	v21 =	vmul.f32 v21, v5;
	v20 =	vld [tilespmem:s23+$0x33C0]  }
0x132: {  	v14 =	vadd.f32 v25, v14;
	v22 =	vmax.f32 v22, $0.0e+00;
	v24 =	vmax.f32 v24, $0.0e+00;
	v23 =	vld [tilespmem:s23+$0x190]  }
0x133: {  	v27 =	vmul.f32 v22, v4;
	v13 =	vadd.f32 v21, v13;
	v24 =	vmul.f32 v24, v5;
	v25 =	vld [tilespmem:s23+$0x3390]  }
0x134: {  	v10 =	vadd.f32 v10, v28;
	v12 =	vadd.f32 v12, v26;
	v29 =	vperm.xlane v14, v0;
	v21 =	vld [tilespmem:s23+$0x1A0]  }
0x135: {  	v28 =	vperm.xlane v11, v1;
	v30 =	vadd.f32 v24, v27;
	v24 =	vperm.xlane v13, v0;
	v22 =	vld [tilespmem:s23+$0x33A0]  }
0x136: {  	v31 =	vperm.xlane v10, v1;
	v14 =	vadd.f32 v14, v29;
	v29 =	vperm.xlane v12, v1;
	v26 =	vld [tilespmem:s23+$0x170]  }
0x137: {  	v11 =	vadd.f32 v11, v28;
	v32 =	vperm.xlane v30, v0;
	v13 =	vadd.f32 v13, v24;
	v27 =	vld [tilespmem:s23+$0x3370]  }
0x138: {  	v36 =	vadd.f32 v10, v31;
	v33 =	vperm.xlane v14, v1;
	v12 =	vadd.f32 v12, v29;
	v24 =	vld [tilespmem:s23+$0x180]  }
0x139: {  	v31 =	vperm.xlane v11, v2;
	v37 =	vadd.f32 v30, v32;
	v10 =	vperm.xlane v13, v1;
	v28 =	vld [tilespmem:s23+$0x3330]  }
0x13a: {  	v14 =	vadd.f32 v14, v33;
	v33 =	vperm.xlane v36, v2;
	v32 =	vperm.xlane v12, v2;
	v29 =	vld [tilespmem:s23+$0x130]  }
.Ltmp0:
0x13b: {  	v38 =	vperm.xlane v37, v1;
	v39 =	vadd.f32 v13, v10;
	v10 =	vadd.f32 v11, v31;
	v30 =	vld [tilespmem:s23+$0x140];
	(pc) =	sbr.rel @p0 .LBB2_3-.Ltmp0, $4  }
0x13c: {  	v13 =	vperm.xlane v14, v2;
	v12 =	vadd.f32 v12, v32;
	v11 =	vadd.f32 v36, v33;
	v31 =	vld [tilespmem:s23+$0x3340]  }
0x13d: {  	v16 =	vadd.f32 v15, v16;
	v15 =	vadd.f32 v37, v38;
	v37 =	vperm.xlane v39, v2;
	v32 =	vld [tilespmem:s23+$0x150]  }
0x13e: {  	v35 =	vadd.f32 v35, v34;
	v13 =	vadd.f32 v14, v13;
	v33 =	vld [tilespmem:s23+$0x3350]  }
0x13f: {  	s24 =	sadd.s32 $0x800, s24;
	v36 =	vmax.f32 v16, $0.0e+00;
	v16 =	vperm.xlane v15, v2;
	v14 =	vadd.f32 v39, v37;
	v34 =	vld [tilespmem:s23+$0x160]  }
0x140: {  	v37 =	vld [tilespmem:s23+$0x3360];
	v23 =	vadd.f32 v25, v23;
	v17 =	vadd.f32 v18, v17;
	v56 =	vmax.f32 v35, $0.0e+00  }
0x141: {  	v57 =	vld [tilespmem:s23+$0x3380];
	v19 =	vadd.f32 v20, v19;
	v58 =	vmul.f32 v36, v4;
	v26 =	vadd.f32 v27, v26  }
0x142: {  	v59 =	vadd.f32 v28, v29;
	v21 =	vadd.f32 v22, v21;
	v18 =	vmul.f32 v56, v5  }
0x143: {  	v60 =	vadd.f32 v31, v30;
	v23 =	vmax.f32 v23, $0.0e+00;
	v17 =	vmax.f32 v17, $0.0e+00  }
0x144: {  	v19 =	vmax.f32 v19, $0.0e+00;
	v26 =	vmax.f32 v26, $0.0e+00;
	v61 =	vmax.f32 v59, $0.0e+00  }
0x145: {  	v23 =	vmul.f32 v23, v4;
	v62 =	vadd.f32 v33, v32;
	v63 =	vadd.f32 v37, v34  }
0x146: {  	v28 =	vmax.f32 v60, $0.0e+00;
	v22 =	vmul.f32 v61, v4;
	v24 =	vadd.f32 v57, v24  }
0x147: {  	v32 =	vmul.f32 v28, v5;
	v27 =	vmax.f32 v62, $0.0e+00;
	v33 =	vmax.f32 v63, $0.0e+00  }
0x148: {  	v27 =	vmul.f32 v27, v4;
	v24 =	vmax.f32 v24, $0.0e+00;
	v28 =	vmul.f32 v33, v5  }
0x149: {  	v21 =	vmax.f32 v21, $0.0e+00;
	v26 =	vmul.f32 v26, v4;
	v24 =	vmul.f32 v24, v5  }
0x14a: {  	v21 =	vmul.f32 v21, v5;
	v22 =	vadd.f32 v32, v22;
	v34 =	vadd.f32 v28, v27  }
0x14b: {  	v17 =	vmul.f32 v17, v4;
	v19 =	vmul.f32 v19, v5;
	v24 =	vadd.f32 v24, v26  }
0x14c: {  	v21 =	vadd.f32 v21, v23;
	v35 =	vperm.xlane v22, v0;
	v27 =	vperm.xlane v34, v0  }
0x14d: {  	v18 =	vadd.f32 v18, v58;
	v17 =	vadd.f32 v19, v17;
	v36 =	vperm.xlane v24, v0  }
0x14e: {  	v39 =	vperm.xlane v21, v0;
	v37 =	vadd.f32 v22, v35;
	v38 =	vadd.f32 v34, v27  }
0x14f: {  	v41 =	vperm.xlane v18, v0;
	v40 =	vperm.xlane v17, v0;
	v23 =	vadd.f32 v24, v36  }
0x150: {  	v21 =	vadd.f32 v21, v39;
	v26 =	vperm.xlane v37, v1;
	v27 =	vperm.xlane v38, v1  }
0x151: {  	v18 =	vadd.f32 v18, v41;
	v17 =	vadd.f32 v17, v40;
	v42 =	vperm.xlane v23, v1  }
0x152: {  	v43 =	vperm.xlane v21, v1;
	v19 =	vadd.f32 v37, v26;
	v20 =	vadd.f32 v38, v27  }
0x153: {  	v25 =	vperm.xlane v18, v1;
	v44 =	vperm.xlane v17, v1;
	v22 =	vadd.f32 v23, v42  }
0x154: {  	v21 =	vadd.f32 v21, v43;
	v26 =	vperm.xlane v19, v2;
	v27 =	vperm.xlane v20, v2  }
0x155: {  	v18 =	vadd.f32 v18, v25;
	v17 =	vadd.f32 v17, v44;
	v45 =	vperm.xlane v22, v2  }
0x156: {  	v46 =	vperm.xlane v21, v2;
	v19 =	vadd.f32 v19, v26;
	v20 =	vadd.f32 v20, v27  }
0x157: {  	v25 =	vperm.xlane v18, v2;
	v47 =	vperm.xlane v17, v2;
	v22 =	vadd.f32 v22, v45  }
0x158: {  	v21 =	vadd.f32 v21, v46;
	v26 =	vperm.xlane v19, v3;
	v27 =	vperm.xlane v20, v3  }
0x159: {  	v18 =	vadd.f32 v18, v25;
	v17 =	vadd.f32 v17, v47;
	v48 =	vperm.xlane v22, v3  }
0x15a: {  	v49 =	vperm.xlane v21, v3;
	v19 =	vadd.f32 v19, v26;
	v20 =	vadd.f32 v20, v27  }
0x15b: {  	v15 =	vadd.f32 v15, v16;
	v50 =	vperm.xlane v17, v3;
	v22 =	vadd.f32 v22, v48  }
0x15c: {  	v53 =	vperm.xlane v18, v3;
	v52 =	vadd.f32 v21, v49;
	v51 =	vsel vm0, v19, v20  }
0x15d: {  	v54 =	vperm.xlane v15, v3;
	v17 =	vadd.f32 v17, v50;
	v16 =	vsel vm1, v51, v22  }
0x15e: {  	v55 =	vperm.xlane v14, v3;
	v18 =	vadd.f32 v18, v53;
	v16 =	vsel vm2, v16, v52  }
0x15f: {  	v56 =	vperm.xlane v13, v3;
	v15 =	vadd.f32 v15, v54;
	v16 =	vsel vm3, v16, v17  }
0x160: {  	v14 =	vadd.f32 v14, v55;
	v57 =	vperm.xlane v12, v3;
	v16 =	vsel vm4, v16, v18  }
0x161: {  	v13 =	vadd.f32 v13, v56;
	v58 =	vperm.xlane v11, v3;
	v15 =	vsel vm5, v16, v15  }
0x162: {  	v59 =	vperm.xlane v10, v3;
	v12 =	vadd.f32 v12, v57;
	v14 =	vsel vm6, v15, v14  }
0x163: {  	v60 =	vperm.xlane v9, v3;
	v11 =	vadd.f32 v11, v58;
	v13 =	vsel vm7, v14, v13  }
0x164: {  	v61 =	vperm.xlane v8, v3;
	v10 =	vadd.f32 v10, v59;
	v12 =	vsel vm8, v13, v12  }
0x165: {  	v9 =	vadd.f32 v9, v60;
	v62 =	vperm.xlane v7, v3;
	v11 =	vsel vm9, v12, v11  }
0x166: {  	v8 =	vadd.f32 v8, v61;
	v63 =	vperm.xlane v6, v3;
	v10 =	vsel vm10, v11, v10  }
0x167: {  	v7 =	vadd.f32 v7, v62;
	v9 =	vsel vm11, v10, v9  }
0x168: {  	v6 =	vadd.f32 v6, v63;
	v8 =	vsel vm12, v9, v8  }
0x169: {  	s20 =	sadd.s32 $0x1, s20;
	v7 =	vsel vm13, v8, v7  }
0x16a: {  	s22 =	sadd.s32 $0x10, s22;
	p0 =	sne.s32 s20, $0x7D;
	v6 =	vsel vm14, v7, v6  }
.Ltmp1:
0x16b: {  	s21 =	sadd.s32 s8, s21;
	[tilespmem:s22+$0x0] =	vst v6;
	(pc) =	sbr.rel @p0 .LBB2_2-.Ltmp1, $4  }
0x16c: {  	[hbm4b:s21+s2] =	stream.linear.scatter [tilespmem:s18], [sflag:$0x3], $0x190, $0x38;
	[tilespmem:$0x68D0] =	vst v63  }
0x16d: {  	_ =	swait.ge [sflag:s12], $0x190  }
0x16e: {  	[sflag:s12] =	ssyncset.done $0x0  }
0x16f: {  	[sflag:s12] =	ssyncadd.s32 $0xFFFFFE70  }
0x170: {  	s19 =	sadd.s32 $0x1, s19  }
0x171: {  	p0 =	sne.s32 s19, s10  }
.Ltmp2:
0x172: {  	_ = 	snop;
	(pc) =	sbr.rel @p0 .LBB2_1-.Ltmp2, $1  }
0x173: {  	_ =	sdelay $0x3  }
0x174: {  	_ =	sfence.sel $0x180000  }
0x175: {  	[bflag:$0x0] =	sbarrier.arrive $0xFFFF  }
0x176: {  	p0 =	sne.s32 s3, $0x0;
	_ =	strace $0x90000047  }
0x177: {  	s0 =	sadd.s32 @!p0 $0x100000, s0;
	[bflag:$0x2] =	sbarrier.arrive $0xFFFF  }
0x178: {  	[sflag:s0] =	ssyncadd.tile.s32 @!p0 $0x1;
	_ =	shalt  }
.Lfunc_end2:
_tile_overlayer_lowered:
.L_overlay_start_2:
0x179: {  	(tag) =	ssettag $0x2  }
0x17a: {  	s0 =	rddreg [dreg:$0x0];
	s2 =	stileid.u32  }
0x17b: {  	s1 =	rddreg [dreg:$0x1];
	p0 =	sne.s32 s2, $0x0  }
0x17c: {  	s3 =	rddreg [dreg:$0x2];
	[bflag:$0x3] =	sbarrier.arrive $0xFFFF;
	s2 =	simm.s32 @!p0 $0x1C03  }
0x17d: {  	[timem:s3], [sflag:s2] =	dma.local @!p0 [hbm:s0], s1  }
0x17e: {  	s0 =	simm.s32 @!p0 $0x3  }
0x17f: {  	_ =	swait.ge @!p0 [sflag:s0], s1  }
0x180: {  	s1 =	ssub.s32 @!p0 $0x0, s1;
	[sflag:s0] =	ssyncset.done @!p0 $0x0  }
0x181: {  	[sflag:s0] =	ssyncadd.s32 @!p0 s1  }
0x182: {  	[bflag:$0x3] =	sbarrier.arrive $0xFFFF  }
0x183: {  	_ =	shalt  }

</sc_bundles>
